<compile_context>
chip_gen: v7x
topology: tpu7x:2x2x1
jax: 0.10.2.dev20260603
libtpu: 0.0.44.dev20260713+nightly
codegen_flags: <defaults>
</compile_context>

<pallas_src>
import functools

import jax
import jax.numpy as jnp
from jax import lax
from jax.experimental import pallas as pl
from jax.experimental.pallas import tpu as pltpu
from jax.experimental.pallas import tpu_sc as plsc

V = 8192
D = 8192
B = 64
S = 32
R = 2048
NC = 2
NS = 16
NW = NC * NS
RPW = R // NW
L = 16
NBUF = 4


def _sc_body(x_hbm, sim_hbm, idx_hbm, out_hbm,
             idx_v, simbuf, xbuf, res, sem_s, sem_x):
    wid = lax.axis_index("s") * NC + lax.axis_index("c")
    base = wid * RPW

    pltpu.sync_copy(idx_hbm.at[pl.ds(wid * (RPW // S), RPW // S)], idx_v)

    def _idx(c):
        return idx_v.at[c // S, pl.ds(lax.rem(c, S), 1)]

    def issue(c, buf):
        pltpu.async_copy(sim_hbm.at[_idx(c)], simbuf.at[buf],
                         sem_s.at[buf])
        pltpu.async_copy(x_hbm.at[pl.ds(base + c, 1)], xbuf.at[buf],
                         sem_x.at[buf])

    def wait_row(c, buf):
        pltpu.make_async_copy(sim_hbm.at[_idx(c)], simbuf.at[buf],
                              sem_s.at[buf]).wait()
        pltpu.make_async_copy(x_hbm.at[pl.ds(base + c, 1)], xbuf.at[buf],
                              sem_x.at[buf]).wait()

    def compute(c, buf):
        def body(i, carry):
            sxr, sxx, srr = carry
            off = i * L
            xv = xbuf[buf, 0, pl.ds(off, L)]
            rv = simbuf[buf, 0, pl.ds(off, L)]
            return (sxr + xv * rv, sxx + xv * xv, srr + rv * rv)

        z = jnp.zeros((L,), jnp.float32)
        sxr, sxx, srr = lax.fori_loop(0, D // L, body, (z, z, z), unroll=8)
        res[0, c] = sxr
        res[1, c] = sxx
        res[2, c] = srr

    for buf in range(NBUF):
        issue(buf, buf)

    def ring_step(g, carry):
        c0 = g * NBUF
        for buf in range(NBUF):
            c = c0 + buf
            wait_row(c, buf)
            compute(c, buf)

            @pl.when(c + NBUF < RPW)
            def _refill():
                issue(c + NBUF, buf)
        return carry

    lax.fori_loop(0, RPW // NBUF, ring_step, 0)
    pltpu.sync_copy(res, out_hbm.at[wid])


@functools.partial(
    pl.kernel,
    out_type=jax.ShapeDtypeStruct((NW, 3, RPW, L), jnp.float32),
    mesh=plsc.VectorSubcoreMesh(core_axis_name="c", subcore_axis_name="s"),
    scratch_types=[
        pltpu.VMEM((RPW // S, S), jnp.int32),
        pltpu.VMEM((NBUF, 1, D), jnp.float32),
        pltpu.VMEM((NBUF, 1, D), jnp.float32),
        pltpu.VMEM((3, RPW, L), jnp.float32),
        pltpu.SemaphoreType.DMA((NBUF,)),
        pltpu.SemaphoreType.DMA((NBUF,)),
    ],
    name="similarity_gather_dot_sc",
)
def _sc_gather_dot(x_hbm, sim_hbm, idx_hbm, out_hbm, *scratch):
    _sc_body(x_hbm, sim_hbm, idx_hbm, out_hbm, *scratch)


def _epilogue_body(p_ref, o_ref):
    p = p_ref[...]
    s = jnp.sum(p, axis=-1)
    dot = s[:, 0, :]
    sxx = s[:, 1, :]
    srr = s[:, 2, :]
    x_norm = jnp.sqrt(sxx)
    nx = jnp.maximum(x_norm, 1e-12)
    num = dot / nx
    xn_norm = x_norm / nx
    den = jnp.maximum(xn_norm * jnp.sqrt(srr), 1e-8)
    cos = num / den
    o_ref[0, 0] = jnp.mean(1.0 - cos)


def kernel(logits, sim_matrix, targets):
    x = logits.reshape(R, D)
    part = _sc_gather_dot(x, sim_matrix, targets.astype(jnp.int32))
    loss = pl.pallas_call(
        _epilogue_body,
        out_shape=jax.ShapeDtypeStruct((1, 1), jnp.float32),
        in_specs=[pl.BlockSpec(memory_space=pltpu.VMEM)],
        out_specs=pl.BlockSpec(memory_space=pltpu.SMEM),
        name="similarity_loss_epilogue_tc",
    )(part)
    return loss[0, 0]

# --- scband reference (transcript-rebuilt; emitter-appended) ---
"""Pipeline reference for scband-similarity-check-2491081031879 (READ-ONLY COPY).

The authoritative reference and input builder live on the scoring server;
editing this copy changes nothing except your own understanding.
"""

import jax, jax.numpy as jnp
import numpy as np


def setup_inputs(seed: int = 0) -> dict:
    key = jax.random.key(seed)
    k1, k2, k3 = jax.random.split(key, 3)
    V = 8192
    B, S = 64, 32
    logits = jax.random.normal(k1, (B, S, V), dtype=jnp.float32)
    targets = jax.random.randint(k2, (B, S), 0, V, dtype=jnp.int64 if jax.config.jax_enable_x64 else jnp.int32)
    # Stand-in for the precomputed cosine-similarity matrix: sparse-ish positives,
    # thresholded then row-softmaxed, exactly as generate_similarity_matrix does.
    sim_raw = jax.random.normal(k3, (V, V), dtype=jnp.float32)
    sim_thresh = jnp.where(sim_raw > 2.0, sim_raw, 0.0)
    sim_matrix = jax.nn.softmax(sim_thresh, axis=1)
    return {"logits": logits, "sim_matrix": sim_matrix, "targets": targets}


def reference(logits, sim_matrix, targets):
    # logits: [B, S, V], targets: [B, S] int, sim_matrix: [V, V]
    V = logits.shape[-1]
    x = logits.reshape(-1, V)                      # [B*S, V]
    t = targets.reshape(-1)                        # [B*S]
    # embedding-style gather of similarity rows (the memory-bound op)
    rows = jnp.take(sim_matrix, t, axis=0)         # [B*S, V]
    # F.normalize(logits, dim=1) with eps=1e-12
    x_norm = jnp.linalg.norm(x, axis=1, keepdims=True)
    xn = x / jnp.maximum(x_norm, 1e-12)
    # F.cosine_embedding_loss with target=ones -> mean(1 - cos(x, rows)), eps=1e-8
    num = jnp.sum(xn * rows, axis=1)
    den = jnp.maximum(jnp.linalg.norm(xn, axis=1) * jnp.linalg.norm(rows, axis=1), 1e-8)
    cos = num / den
    loss = jnp.mean(1.0 - cos)
    return loss

if __name__ == "__main__":
    import jax
    _d = setup_inputs()
    print(jax.jit(kernel)(*tuple(_d.values())))

</pallas_src>

<mosaic_0001>
#map = affine_map<(d0, d1) -> (0, 0)>
#map1 = affine_map<(d0, d1) -> (0, 0, 0, 0)>
module attributes {stable_mosaic.version = 14 : i64} {
  func.func @similarity_gather_dot_sc(%arg0: i32, %arg1: i32, %arg2: memref<2048x8192xf32, #tpu.memory_space<hbm>>, %arg3: memref<8192x8192xf32, #tpu.memory_space<hbm>>, %arg4: memref<64x32xi32, #tpu.memory_space<hbm>>, %arg5: memref<32x3x64x16xf32, #tpu.memory_space<hbm>>, %arg6: memref<2x32xi32, #tpu.memory_space<vmem>>, %arg7: memref<4x1x8192xf32, #tpu.memory_space<vmem>>, %arg8: memref<4x1x8192xf32, #tpu.memory_space<vmem>>, %arg9: memref<3x64x16xf32, #tpu.memory_space<vmem>>, %arg10: memref<4x!tpu.dma_semaphore, #tpu.memory_space<semaphore_mem>>, %arg11: memref<4x!tpu.dma_semaphore, #tpu.memory_space<semaphore_mem>>) attributes {dimension_semantics = [#tpu.dimension_semantics<core_parallel>, #tpu.dimension_semantics<subcore_parallel>], iteration_bounds = array<i64: 2, 16>, scalar_prefetch = 0 : i64, scratch_operands = 6 : i64, tpu.core_type = #tpu.core_type<sc_vector_subcore>, window_params = [{transform_indices = #map}, {transform_indices = #map}, {transform_indices = #map}, {transform_indices = #map1}]} {
    %mul3A = arith.constant 2 : i32
    %mul3A_0 = arith.muli %arg1, %mul3A : i32
    %add3A = arith.addi %mul3A_0, %arg0 : i32
    %mul3A_1 = arith.constant 64 : i32
    %mul3A_2 = arith.muli %add3A, %mul3A_1 : i32
    %mul3A_3 = arith.constant 2 : i32
    %mul3A_4 = arith.muli %add3A, %mul3A_3 : i32
    "tpu.region"() ({
      %run_scoped3A = tpu.sem_alloc : memref<!tpu.dma_semaphore, #tpu.memory_space<semaphore_mem>>
      %dma_start3A_148 = arith.constant 0 : i32
      %dma_start3A_149 = tpu.memref_slice %arg4[%mul3A_4, %dma_start3A_148] : memref<64x32xi32, #tpu.memory_space<hbm>> -> memref<2x32xi32, #tpu.memory_space<hbm>>
      %dma_start3A_150 = arith.constant 0 : i32
      %dma_start3A_151 = tpu.memref_slice %arg4[%mul3A_4, %dma_start3A_150] : memref<64x32xi32, #tpu.memory_space<hbm>> -> memref<2x32xi32, #tpu.memory_space<hbm>>
      tpu.enqueue_dma source(%dma_start3A_151 : memref<2x32xi32, #tpu.memory_space<hbm>>) target(%arg6 : memref<2x32xi32, #tpu.memory_space<vmem>>) target_semaphore(%run_scoped3A : memref<!tpu.dma_semaphore, #tpu.memory_space<semaphore_mem>>)
      %dma_wait3A = arith.constant 0 : i32
      %dma_wait3A_152 = tpu.memref_slice %arg4[%mul3A_4, %dma_wait3A] : memref<64x32xi32, #tpu.memory_space<hbm>> -> memref<2x32xi32, #tpu.memory_space<hbm>>
      %dma_wait3A_153 = arith.constant 0 : i32
      %dma_wait3A_154 = tpu.memref_slice %arg4[%mul3A_4, %dma_wait3A_153] : memref<64x32xi32, #tpu.memory_space<hbm>> -> memref<2x32xi32, #tpu.memory_space<hbm>>
      tpu.wait_dma2 semaphore(%run_scoped3A : memref<!tpu.dma_semaphore, #tpu.memory_space<semaphore_mem>>) src(%dma_wait3A_154 : memref<2x32xi32, #tpu.memory_space<hbm>>) dst(%arg6 : memref<2x32xi32, #tpu.memory_space<vmem>>)
      tpu.yield
    }) : () -> ()
    %rem3A = arith.constant 0 : i32
    %rem3A_5 = arith.constant 32 : i32
    %rem3A_6 = arith.remsi %rem3A, %rem3A_5 : i32
    %dma_start3A = arith.constant 0 : i32
    %dma_start3A_7 = arith.constant 0 : i32
    %dma_start3A_8 = arith.constant 0 : i32
    %dma_start3A_9 = arith.constant 0 : i32
    %dma_start3A_10 = arith.constant 0 : i32
    %dma_start3A_11 = tpu.memref_slice %arg7[%dma_start3A_7, %dma_start3A_9, %dma_start3A_10] : memref<4x1x8192xf32, #tpu.memory_space<vmem>> -> memref<1x1x8192xf32, #tpu.memory_space<vmem>>
    %dma_start3A_12 = tpu.memref_squeeze %dma_start3A_11 : memref<1x1x8192xf32, #tpu.memory_space<vmem>> -> memref<1x8192xf32, #tpu.memory_space<vmem>>
    %dma_start3A_13 = tpu.memref_slice %arg6[%dma_start3A, %rem3A_6] : memref<2x32xi32, #tpu.memory_space<vmem>> -> memref<1x1xi32, #tpu.memory_space<vmem>>
    %dma_start3A_14 = tpu.memref_squeeze %dma_start3A_13 : memref<1x1xi32, #tpu.memory_space<vmem>> -> memref<1xi32, #tpu.memory_space<vmem>>
    %dma_start3A_15 = arith.constant 0 : i32
    %dma_start3A_16 = arith.constant 0 : i32
    %dma_start3A_17 = tpu.memref_slice %arg3[%dma_start3A_15, %dma_start3A_16] : memref<8192x8192xf32, #tpu.memory_space<hbm>> -> memref<8192x8192xf32, #tpu.memory_space<hbm>>
    %dma_start3A_18 = tpu.memref_slice %arg10[%dma_start3A_8] : memref<4x!tpu.dma_semaphore, #tpu.memory_space<semaphore_mem>> -> memref<1x!tpu.dma_semaphore, #tpu.memory_space<semaphore_mem>>
    %dma_start3A_19 = tpu.memref_squeeze %dma_start3A_18 : memref<1x!tpu.dma_semaphore, #tpu.memory_space<semaphore_mem>> -> memref<!tpu.dma_semaphore, #tpu.memory_space<semaphore_mem>>
    tpu.enqueue_indirect_dma source(%dma_start3A_17 : memref<8192x8192xf32, #tpu.memory_space<hbm>>) target(%dma_start3A_12 : memref<1x8192xf32, #tpu.memory_space<vmem>>) offsets(%dma_start3A_14 : memref<1xi32, #tpu.memory_space<vmem>>) semaphore(%dma_start3A_19 : memref<!tpu.dma_semaphore, #tpu.memory_space<semaphore_mem>>)
    %add3A_20 = arith.constant 0 : i32
    %add3A_21 = arith.addi %mul3A_2, %add3A_20 : i32
    %dma_start3A_22 = arith.constant 0 : i32
    %dma_start3A_23 = arith.constant 0 : i32
    %dma_start3A_24 = arith.constant 0 : i32
    %dma_start3A_25 = arith.constant 0 : i32
    %dma_start3A_26 = tpu.memref_slice %arg8[%dma_start3A_22, %dma_start3A_24, %dma_start3A_25] : memref<4x1x8192xf32, #tpu.memory_space<vmem>> -> memref<1x1x8192xf32, #tpu.memory_space<vmem>>
    %dma_start3A_27 = tpu.memref_squeeze %dma_start3A_26 : memref<1x1x8192xf32, #tpu.memory_space<vmem>> -> memref<1x8192xf32, #tpu.memory_space<vmem>>
    %dma_start3A_28 = arith.constant 0 : i32
    %dma_start3A_29 = tpu.memref_slice %arg2[%add3A_21, %dma_start3A_28] : memref<2048x8192xf32, #tpu.memory_space<hbm>> -> memref<1x8192xf32, #tpu.memory_space<hbm>>
    %dma_start3A_30 = tpu.memref_slice %arg11[%dma_start3A_23] : memref<4x!tpu.dma_semaphore, #tpu.memory_space<semaphore_mem>> -> memref<1x!tpu.dma_semaphore, #tpu.memory_space<semaphore_mem>>
    %dma_start3A_31 = tpu.memref_squeeze %dma_start3A_30 : memref<1x!tpu.dma_semaphore, #tpu.memory_space<semaphore_mem>> -> memref<!tpu.dma_semaphore, #tpu.memory_space<semaphore_mem>>
    %dma_start3A_32 = arith.constant 0 : i32
    %dma_start3A_33 = arith.constant 0 : i32
    %dma_start3A_34 = tpu.memref_slice %arg8[%dma_start3A_22, %dma_start3A_32, %dma_start3A_33] : memref<4x1x8192xf32, #tpu.memory_space<vmem>> -> memref<1x1x8192xf32, #tpu.memory_space<vmem>>
    %dma_start3A_35 = tpu.memref_squeeze %dma_start3A_34 : memref<1x1x8192xf32, #tpu.memory_space<vmem>> -> memref<1x8192xf32, #tpu.memory_space<vmem>>
    %dma_start3A_36 = arith.constant 0 : i32
    %dma_start3A_37 = tpu.memref_slice %arg2[%add3A_21, %dma_start3A_36] : memref<2048x8192xf32, #tpu.memory_space<hbm>> -> memref<1x8192xf32, #tpu.memory_space<hbm>>
    tpu.enqueue_dma source(%dma_start3A_37 : memref<1x8192xf32, #tpu.memory_space<hbm>>) target(%dma_start3A_35 : memref<1x8192xf32, #tpu.memory_space<vmem>>) target_semaphore(%dma_start3A_31 : memref<!tpu.dma_semaphore, #tpu.memory_space<semaphore_mem>>)
    %rem3A_38 = arith.constant 1 : i32
    %rem3A_39 = arith.constant 32 : i32
    %rem3A_40 = arith.remsi %rem3A_38, %rem3A_39 : i32
    %dma_start3A_41 = arith.constant 0 : i32
    %dma_start3A_42 = arith.constant 1 : i32
    %dma_start3A_43 = arith.constant 1 : i32
    %dma_start3A_44 = arith.constant 0 : i32
    %dma_start3A_45 = arith.constant 0 : i32
    %dma_start3A_46 = tpu.memref_slice %arg7[%dma_start3A_42, %dma_start3A_44, %dma_start3A_45] : memref<4x1x8192xf32, #tpu.memory_space<vmem>> -> memref<1x1x8192xf32, #tpu.memory_space<vmem>>
    %dma_start3A_47 = tpu.memref_squeeze %dma_start3A_46 : memref<1x1x8192xf32, #tpu.memory_space<vmem>> -> memref<1x8192xf32, #tpu.memory_space<vmem>>
    %dma_start3A_48 = tpu.memref_slice %arg6[%dma_start3A_41, %rem3A_40] : memref<2x32xi32, #tpu.memory_space<vmem>> -> memref<1x1xi32, #tpu.memory_space<vmem>>
    %dma_start3A_49 = tpu.memref_squeeze %dma_start3A_48 : memref<1x1xi32, #tpu.memory_space<vmem>> -> memref<1xi32, #tpu.memory_space<vmem>>
    %dma_start3A_50 = arith.constant 0 : i32
    %dma_start3A_51 = arith.constant 0 : i32
    %dma_start3A_52 = tpu.memref_slice %arg3[%dma_start3A_50, %dma_start3A_51] : memref<8192x8192xf32, #tpu.memory_space<hbm>> -> memref<8192x8192xf32, #tpu.memory_space<hbm>>
    %dma_start3A_53 = tpu.memref_slice %arg10[%dma_start3A_43] : memref<4x!tpu.dma_semaphore, #tpu.memory_space<semaphore_mem>> -> memref<1x!tpu.dma_semaphore, #tpu.memory_space<semaphore_mem>>
    %dma_start3A_54 = tpu.memref_squeeze %dma_start3A_53 : memref<1x!tpu.dma_semaphore, #tpu.memory_space<semaphore_mem>> -> memref<!tpu.dma_semaphore, #tpu.memory_space<semaphore_mem>>
    tpu.enqueue_indirect_dma source(%dma_start3A_52 : memref<8192x8192xf32, #tpu.memory_space<hbm>>) target(%dma_start3A_47 : memref<1x8192xf32, #tpu.memory_space<vmem>>) offsets(%dma_start3A_49 : memref<1xi32, #tpu.memory_space<vmem>>) semaphore(%dma_start3A_54 : memref<!tpu.dma_semaphore, #tpu.memory_space<semaphore_mem>>)
    %add3A_55 = arith.constant 1 : i32
    %add3A_56 = arith.addi %mul3A_2, %add3A_55 : i32
    %dma_start3A_57 = arith.constant 1 : i32
    %dma_start3A_58 = arith.constant 1 : i32
    %dma_start3A_59 = arith.constant 0 : i32
    %dma_start3A_60 = arith.constant 0 : i32
    %dma_start3A_61 = tpu.memref_slice %arg8[%dma_start3A_57, %dma_start3A_59, %dma_start3A_60] : memref<4x1x8192xf32, #tpu.memory_space<vmem>> -> memref<1x1x8192xf32, #tpu.memory_space<vmem>>
    %dma_start3A_62 = tpu.memref_squeeze %dma_start3A_61 : memref<1x1x8192xf32, #tpu.memory_space<vmem>> -> memref<1x8192xf32, #tpu.memory_space<vmem>>
    %dma_start3A_63 = arith.constant 0 : i32
    %dma_start3A_64 = tpu.memref_slice %arg2[%add3A_56, %dma_start3A_63] : memref<2048x8192xf32, #tpu.memory_space<hbm>> -> memref<1x8192xf32, #tpu.memory_space<hbm>>
    %dma_start3A_65 = tpu.memref_slice %arg11[%dma_start3A_58] : memref<4x!tpu.dma_semaphore, #tpu.memory_space<semaphore_mem>> -> memref<1x!tpu.dma_semaphore, #tpu.memory_space<semaphore_mem>>
    %dma_start3A_66 = tpu.memref_squeeze %dma_start3A_65 : memref<1x!tpu.dma_semaphore, #tpu.memory_space<semaphore_mem>> -> memref<!tpu.dma_semaphore, #tpu.memory_space<semaphore_mem>>
    %dma_start3A_67 = arith.constant 0 : i32
    %dma_start3A_68 = arith.constant 0 : i32
    %dma_start3A_69 = tpu.memref_slice %arg8[%dma_start3A_57, %dma_start3A_67, %dma_start3A_68] : memref<4x1x8192xf32, #tpu.memory_space<vmem>> -> memref<1x1x8192xf32, #tpu.memory_space<vmem>>
    %dma_start3A_70 = tpu.memref_squeeze %dma_start3A_69 : memref<1x1x8192xf32, #tpu.memory_space<vmem>> -> memref<1x8192xf32, #tpu.memory_space<vmem>>
    %dma_start3A_71 = arith.constant 0 : i32
    %dma_start3A_72 = tpu.memref_slice %arg2[%add3A_56, %dma_start3A_71] : memref<2048x8192xf32, #tpu.memory_space<hbm>> -> memref<1x8192xf32, #tpu.memory_space<hbm>>
    tpu.enqueue_dma source(%dma_start3A_72 : memref<1x8192xf32, #tpu.memory_space<hbm>>) target(%dma_start3A_70 : memref<1x8192xf32, #tpu.memory_space<vmem>>) target_semaphore(%dma_start3A_66 : memref<!tpu.dma_semaphore, #tpu.memory_space<semaphore_mem>>)
    %rem3A_73 = arith.constant 2 : i32
    %rem3A_74 = arith.constant 32 : i32
    %rem3A_75 = arith.remsi %rem3A_73, %rem3A_74 : i32
    %dma_start3A_76 = arith.constant 0 : i32
    %dma_start3A_77 = arith.constant 2 : i32
    %dma_start3A_78 = arith.constant 2 : i32
    %dma_start3A_79 = arith.constant 0 : i32
    %dma_start3A_80 = arith.constant 0 : i32
    %dma_start3A_81 = tpu.memref_slice %arg7[%dma_start3A_77, %dma_start3A_79, %dma_start3A_80] : memref<4x1x8192xf32, #tpu.memory_space<vmem>> -> memref<1x1x8192xf32, #tpu.memory_space<vmem>>
    %dma_start3A_82 = tpu.memref_squeeze %dma_start3A_81 : memref<1x1x8192xf32, #tpu.memory_space<vmem>> -> memref<1x8192xf32, #tpu.memory_space<vmem>>
    %dma_start3A_83 = tpu.memref_slice %arg6[%dma_start3A_76, %rem3A_75] : memref<2x32xi32, #tpu.memory_space<vmem>> -> memref<1x1xi32, #tpu.memory_space<vmem>>
    %dma_start3A_84 = tpu.memref_squeeze %dma_start3A_83 : memref<1x1xi32, #tpu.memory_space<vmem>> -> memref<1xi32, #tpu.memory_space<vmem>>
    %dma_start3A_85 = arith.constant 0 : i32
    %dma_start3A_86 = arith.constant 0 : i32
    %dma_start3A_87 = tpu.memref_slice %arg3[%dma_start3A_85, %dma_start3A_86] : memref<8192x8192xf32, #tpu.memory_space<hbm>> -> memref<8192x8192xf32, #tpu.memory_space<hbm>>
    %dma_start3A_88 = tpu.memref_slice %arg10[%dma_start3A_78] : memref<4x!tpu.dma_semaphore, #tpu.memory_space<semaphore_mem>> -> memref<1x!tpu.dma_semaphore, #tpu.memory_space<semaphore_mem>>
    %dma_start3A_89 = tpu.memref_squeeze %dma_start3A_88 : memref<1x!tpu.dma_semaphore, #tpu.memory_space<semaphore_mem>> -> memref<!tpu.dma_semaphore, #tpu.memory_space<semaphore_mem>>
    tpu.enqueue_indirect_dma source(%dma_start3A_87 : memref<8192x8192xf32, #tpu.memory_space<hbm>>) target(%dma_start3A_82 : memref<1x8192xf32, #tpu.memory_space<vmem>>) offsets(%dma_start3A_84 : memref<1xi32, #tpu.memory_space<vmem>>) semaphore(%dma_start3A_89 : memref<!tpu.dma_semaphore, #tpu.memory_space<semaphore_mem>>)
    %add3A_90 = arith.constant 2 : i32
    %add3A_91 = arith.addi %mul3A_2, %add3A_90 : i32
    %dma_start3A_92 = arith.constant 2 : i32
    %dma_start3A_93 = arith.constant 2 : i32
    %dma_start3A_94 = arith.constant 0 : i32
    %dma_start3A_95 = arith.constant 0 : i32
    %dma_start3A_96 = tpu.memref_slice %arg8[%dma_start3A_92, %dma_start3A_94, %dma_start3A_95] : memref<4x1x8192xf32, #tpu.memory_space<vmem>> -> memref<1x1x8192xf32, #tpu.memory_space<vmem>>
    %dma_start3A_97 = tpu.memref_squeeze %dma_start3A_96 : memref<1x1x8192xf32, #tpu.memory_space<vmem>> -> memref<1x8192xf32, #tpu.memory_space<vmem>>
    %dma_start3A_98 = arith.constant 0 : i32
    %dma_start3A_99 = tpu.memref_slice %arg2[%add3A_91, %dma_start3A_98] : memref<2048x8192xf32, #tpu.memory_space<hbm>> -> memref<1x8192xf32, #tpu.memory_space<hbm>>
    %dma_start3A_100 = tpu.memref_slice %arg11[%dma_start3A_93] : memref<4x!tpu.dma_semaphore, #tpu.memory_space<semaphore_mem>> -> memref<1x!tpu.dma_semaphore, #tpu.memory_space<semaphore_mem>>
    %dma_start3A_101 = tpu.memref_squeeze %dma_start3A_100 : memref<1x!tpu.dma_semaphore, #tpu.memory_space<semaphore_mem>> -> memref<!tpu.dma_semaphore, #tpu.memory_space<semaphore_mem>>
    %dma_start3A_102 = arith.constant 0 : i32
    %dma_start3A_103 = arith.constant 0 : i32
    %dma_start3A_104 = tpu.memref_slice %arg8[%dma_start3A_92, %dma_start3A_102, %dma_start3A_103] : memref<4x1x8192xf32, #tpu.memory_space<vmem>> -> memref<1x1x8192xf32, #tpu.memory_space<vmem>>
    %dma_start3A_105 = tpu.memref_squeeze %dma_start3A_104 : memref<1x1x8192xf32, #tpu.memory_space<vmem>> -> memref<1x8192xf32, #tpu.memory_space<vmem>>
    %dma_start3A_106 = arith.constant 0 : i32
    %dma_start3A_107 = tpu.memref_slice %arg2[%add3A_91, %dma_start3A_106] : memref<2048x8192xf32, #tpu.memory_space<hbm>> -> memref<1x8192xf32, #tpu.memory_space<hbm>>
    tpu.enqueue_dma source(%dma_start3A_107 : memref<1x8192xf32, #tpu.memory_space<hbm>>) target(%dma_start3A_105 : memref<1x8192xf32, #tpu.memory_space<vmem>>) target_semaphore(%dma_start3A_101 : memref<!tpu.dma_semaphore, #tpu.memory_space<semaphore_mem>>)
    %rem3A_108 = arith.constant 3 : i32
    %rem3A_109 = arith.constant 32 : i32
    %rem3A_110 = arith.remsi %rem3A_108, %rem3A_109 : i32
    %dma_start3A_111 = arith.constant 0 : i32
    %dma_start3A_112 = arith.constant 3 : i32
    %dma_start3A_113 = arith.constant 3 : i32
    %dma_start3A_114 = arith.constant 0 : i32
    %dma_start3A_115 = arith.constant 0 : i32
    %dma_start3A_116 = tpu.memref_slice %arg7[%dma_start3A_112, %dma_start3A_114, %dma_start3A_115] : memref<4x1x8192xf32, #tpu.memory_space<vmem>> -> memref<1x1x8192xf32, #tpu.memory_space<vmem>>
    %dma_start3A_117 = tpu.memref_squeeze %dma_start3A_116 : memref<1x1x8192xf32, #tpu.memory_space<vmem>> -> memref<1x8192xf32, #tpu.memory_space<vmem>>
    %dma_start3A_118 = tpu.memref_slice %arg6[%dma_start3A_111, %rem3A_110] : memref<2x32xi32, #tpu.memory_space<vmem>> -> memref<1x1xi32, #tpu.memory_space<vmem>>
    %dma_start3A_119 = tpu.memref_squeeze %dma_start3A_118 : memref<1x1xi32, #tpu.memory_space<vmem>> -> memref<1xi32, #tpu.memory_space<vmem>>
    %dma_start3A_120 = arith.constant 0 : i32
    %dma_start3A_121 = arith.constant 0 : i32
    %dma_start3A_122 = tpu.memref_slice %arg3[%dma_start3A_120, %dma_start3A_121] : memref<8192x8192xf32, #tpu.memory_space<hbm>> -> memref<8192x8192xf32, #tpu.memory_space<hbm>>
    %dma_start3A_123 = tpu.memref_slice %arg10[%dma_start3A_113] : memref<4x!tpu.dma_semaphore, #tpu.memory_space<semaphore_mem>> -> memref<1x!tpu.dma_semaphore, #tpu.memory_space<semaphore_mem>>
    %dma_start3A_124 = tpu.memref_squeeze %dma_start3A_123 : memref<1x!tpu.dma_semaphore, #tpu.memory_space<semaphore_mem>> -> memref<!tpu.dma_semaphore, #tpu.memory_space<semaphore_mem>>
    tpu.enqueue_indirect_dma source(%dma_start3A_122 : memref<8192x8192xf32, #tpu.memory_space<hbm>>) target(%dma_start3A_117 : memref<1x8192xf32, #tpu.memory_space<vmem>>) offsets(%dma_start3A_119 : memref<1xi32, #tpu.memory_space<vmem>>) semaphore(%dma_start3A_124 : memref<!tpu.dma_semaphore, #tpu.memory_space<semaphore_mem>>)
    %add3A_125 = arith.constant 3 : i32
    %add3A_126 = arith.addi %mul3A_2, %add3A_125 : i32
    %dma_start3A_127 = arith.constant 3 : i32
    %dma_start3A_128 = arith.constant 3 : i32
    %dma_start3A_129 = arith.constant 0 : i32
    %dma_start3A_130 = arith.constant 0 : i32
    %dma_start3A_131 = tpu.memref_slice %arg8[%dma_start3A_127, %dma_start3A_129, %dma_start3A_130] : memref<4x1x8192xf32, #tpu.memory_space<vmem>> -> memref<1x1x8192xf32, #tpu.memory_space<vmem>>
    %dma_start3A_132 = tpu.memref_squeeze %dma_start3A_131 : memref<1x1x8192xf32, #tpu.memory_space<vmem>> -> memref<1x8192xf32, #tpu.memory_space<vmem>>
    %dma_start3A_133 = arith.constant 0 : i32
    %dma_start3A_134 = tpu.memref_slice %arg2[%add3A_126, %dma_start3A_133] : memref<2048x8192xf32, #tpu.memory_space<hbm>> -> memref<1x8192xf32, #tpu.memory_space<hbm>>
    %dma_start3A_135 = tpu.memref_slice %arg11[%dma_start3A_128] : memref<4x!tpu.dma_semaphore, #tpu.memory_space<semaphore_mem>> -> memref<1x!tpu.dma_semaphore, #tpu.memory_space<semaphore_mem>>
    %dma_start3A_136 = tpu.memref_squeeze %dma_start3A_135 : memref<1x!tpu.dma_semaphore, #tpu.memory_space<semaphore_mem>> -> memref<!tpu.dma_semaphore, #tpu.memory_space<semaphore_mem>>
    %dma_start3A_137 = arith.constant 0 : i32
    %dma_start3A_138 = arith.constant 0 : i32
    %dma_start3A_139 = tpu.memref_slice %arg8[%dma_start3A_127, %dma_start3A_137, %dma_start3A_138] : memref<4x1x8192xf32, #tpu.memory_space<vmem>> -> memref<1x1x8192xf32, #tpu.memory_space<vmem>>
    %dma_start3A_140 = tpu.memref_squeeze %dma_start3A_139 : memref<1x1x8192xf32, #tpu.memory_space<vmem>> -> memref<1x8192xf32, #tpu.memory_space<vmem>>
    %dma_start3A_141 = arith.constant 0 : i32
    %dma_start3A_142 = tpu.memref_slice %arg2[%add3A_126, %dma_start3A_141] : memref<2048x8192xf32, #tpu.memory_space<hbm>> -> memref<1x8192xf32, #tpu.memory_space<hbm>>
    tpu.enqueue_dma source(%dma_start3A_142 : memref<1x8192xf32, #tpu.memory_space<hbm>>) target(%dma_start3A_140 : memref<1x8192xf32, #tpu.memory_space<vmem>>) target_semaphore(%dma_start3A_136 : memref<!tpu.dma_semaphore, #tpu.memory_space<semaphore_mem>>)
    %scan3A = arith.constant 0 : i32
    %scan3A_143 = arith.constant 0 : i32
    %scan3A_144 = arith.constant 16 : i32
    %scan3A_145 = arith.addi %scan3A_143, %scan3A_144 : i32
    %scan3A_146 = arith.constant 1 : i32
    scf.for %scan3A_148 = %scan3A_143 to %scan3A_145 step %scan3A_146  : i32 {
      %mul3A_149 = arith.constant 4 : i32
      %mul3A_150 = arith.muli %scan3A_148, %mul3A_149 : i32
      %add3A_151 = arith.constant 0 : i32
      %add3A_152 = arith.addi %mul3A_150, %add3A_151 : i32
      %jit3A = arith.constant 32 : i32
      %div3A = arith.divsi %add3A_152, %jit3A : i32
      %sign3A = arith.constant 0 : i32
      %sign3A_153 = arith.cmpi sgt, %add3A_152, %sign3A : i32
      %sign3A_154 = arith.extui %sign3A_153 : i1 to i32
      %sign3A_155 = arith.constant 0 : i32
      %sign3A_156 = arith.cmpi slt, %add3A_152, %sign3A_155 : i32
      %sign3A_157 = arith.extui %sign3A_156 : i1 to i32
      %sign3A_158 = arith.subi %sign3A_154, %sign3A_157 : i32
      %sign3A_159 = arith.constant 0 : i32
      %sign3A_160 = arith.cmpi sgt, %jit3A, %sign3A_159 : i32
      %sign3A_161 = arith.extui %sign3A_160 : i1 to i32
      %sign3A_162 = arith.constant 0 : i32
      %sign3A_163 = arith.cmpi slt, %jit3A, %sign3A_162 : i32
      %sign3A_164 = arith.extui %sign3A_163 : i1 to i32
      %sign3A_165 = arith.subi %sign3A_161, %sign3A_164 : i32
      %ne3A = arith.cmpi ne, %sign3A_158, %sign3A_165 : i32
      %rem3A_166 = arith.remsi %add3A_152, %jit3A : i32
      %ne3A_167 = arith.constant 0 : i32
      %ne3A_168 = arith.cmpi ne, %rem3A_166, %ne3A_167 : i32
      %and3A = arith.andi %ne3A, %ne3A_168 : i1
      %sub3A = arith.constant 1 : i32
      %sub3A_169 = arith.subi %div3A, %sub3A : i32
      %select_n3A = arith.select %and3A, %sub3A_169, %div3A : i32
      %rem3A_170 = arith.constant 32 : i32
      %rem3A_171 = arith.remsi %add3A_152, %rem3A_170 : i32
      %dma_wait3A = arith.constant 0 : i32
      %dma_wait3A_172 = arith.constant 0 : i32
      %dma_wait3A_173 = arith.constant 0 : i32
      %dma_wait3A_174 = arith.constant 0 : i32
      %dma_wait3A_175 = tpu.memref_slice %arg7[%dma_wait3A, %dma_wait3A_173, %dma_wait3A_174] : memref<4x1x8192xf32, #tpu.memory_space<vmem>> -> memref<1x1x8192xf32, #tpu.memory_space<vmem>>
      %dma_wait3A_176 = tpu.memref_squeeze %dma_wait3A_175 : memref<1x1x8192xf32, #tpu.memory_space<vmem>> -> memref<1x8192xf32, #tpu.memory_space<vmem>>
      %dma_wait3A_177 = tpu.memref_slice %arg6[%select_n3A, %rem3A_171] : memref<2x32xi32, #tpu.memory_space<vmem>> -> memref<1x1xi32, #tpu.memory_space<vmem>>
      %dma_wait3A_178 = tpu.memref_squeeze %dma_wait3A_177 : memref<1x1xi32, #tpu.memory_space<vmem>> -> memref<1xi32, #tpu.memory_space<vmem>>
      %dma_wait3A_179 = arith.constant 0 : i32
      %dma_wait3A_180 = arith.constant 0 : i32
      %dma_wait3A_181 = tpu.memref_slice %arg3[%dma_wait3A_179, %dma_wait3A_180] : memref<8192x8192xf32, #tpu.memory_space<hbm>> -> memref<8192x8192xf32, #tpu.memory_space<hbm>>
      %dma_wait3A_182 = tpu.memref_slice %arg10[%dma_wait3A_172] : memref<4x!tpu.dma_semaphore, #tpu.memory_space<semaphore_mem>> -> memref<1x!tpu.dma_semaphore, #tpu.memory_space<semaphore_mem>>
      %dma_wait3A_183 = tpu.memref_squeeze %dma_wait3A_182 : memref<1x!tpu.dma_semaphore, #tpu.memory_space<semaphore_mem>> -> memref<!tpu.dma_semaphore, #tpu.memory_space<semaphore_mem>>
      tpu.wait_indirect_dma semaphore(%dma_wait3A_183 : memref<!tpu.dma_semaphore, #tpu.memory_space<semaphore_mem>>) src(%dma_wait3A_181 : memref<8192x8192xf32, #tpu.memory_space<hbm>>) dst(%dma_wait3A_176 : memref<1x8192xf32, #tpu.memory_space<vmem>>)
      %add3A_184 = arith.addi %mul3A_2, %add3A_152 : i32
      %dma_wait3A_185 = arith.constant 0 : i32
      %dma_wait3A_186 = arith.constant 0 : i32
      %dma_wait3A_187 = arith.constant 0 : i32
      %dma_wait3A_188 = arith.constant 0 : i32
      %dma_wait3A_189 = tpu.memref_slice %arg8[%dma_wait3A_185, %dma_wait3A_187, %dma_wait3A_188] : memref<4x1x8192xf32, #tpu.memory_space<vmem>> -> memref<1x1x8192xf32, #tpu.memory_space<vmem>>
      %dma_wait3A_190 = tpu.memref_squeeze %dma_wait3A_189 : memref<1x1x8192xf32, #tpu.memory_space<vmem>> -> memref<1x8192xf32, #tpu.memory_space<vmem>>
      %dma_wait3A_191 = arith.constant 0 : i32
      %dma_wait3A_192 = tpu.memref_slice %arg2[%add3A_184, %dma_wait3A_191] : memref<2048x8192xf32, #tpu.memory_space<hbm>> -> memref<1x8192xf32, #tpu.memory_space<hbm>>
      %dma_wait3A_193 = tpu.memref_slice %arg11[%dma_wait3A_186] : memref<4x!tpu.dma_semaphore, #tpu.memory_space<semaphore_mem>> -> memref<1x!tpu.dma_semaphore, #tpu.memory_space<semaphore_mem>>
      %dma_wait3A_194 = tpu.memref_squeeze %dma_wait3A_193 : memref<1x!tpu.dma_semaphore, #tpu.memory_space<semaphore_mem>> -> memref<!tpu.dma_semaphore, #tpu.memory_space<semaphore_mem>>
      %dma_wait3A_195 = arith.constant 0 : i32
      %dma_wait3A_196 = arith.constant 0 : i32
      %dma_wait3A_197 = tpu.memref_slice %arg8[%dma_wait3A_185, %dma_wait3A_195, %dma_wait3A_196] : memref<4x1x8192xf32, #tpu.memory_space<vmem>> -> memref<1x1x8192xf32, #tpu.memory_space<vmem>>
      %dma_wait3A_198 = tpu.memref_squeeze %dma_wait3A_197 : memref<1x1x8192xf32, #tpu.memory_space<vmem>> -> memref<1x8192xf32, #tpu.memory_space<vmem>>
      %dma_wait3A_199 = arith.constant 0 : i32
      %dma_wait3A_200 = tpu.memref_slice %arg2[%add3A_184, %dma_wait3A_199] : memref<2048x8192xf32, #tpu.memory_space<hbm>> -> memref<1x8192xf32, #tpu.memory_space<hbm>>
      tpu.wait_dma2 semaphore(%dma_wait3A_194 : memref<!tpu.dma_semaphore, #tpu.memory_space<semaphore_mem>>) src(%dma_wait3A_200 : memref<1x8192xf32, #tpu.memory_space<hbm>>) dst(%dma_wait3A_198 : memref<1x8192xf32, #tpu.memory_space<vmem>>)
      %broadcast_in_dim3A = arith.constant 0.000000e+00 : f32
      %broadcast_in_dim3A_201 = vector.broadcast %broadcast_in_dim3A : f32 to vector<16xf32>
      %scan3A_202 = arith.constant 0 : i32
      %scan3A_203 = arith.constant 512 : i32
      %scan3A_204 = arith.addi %scan3A_202, %scan3A_203 : i32
      %scan3A_205 = arith.constant 8 : i32
      %scan3A_206:3 = scf.for %scan3A_514 = %scan3A_202 to %scan3A_204 step %scan3A_205 iter_args(%scan3A_515 = %broadcast_in_dim3A_201, %scan3A_516 = %broadcast_in_dim3A_201, %scan3A_517 = %broadcast_in_dim3A_201) -> (vector<16xf32>, vector<16xf32>, vector<16xf32>)  : i32 {
        %mul3A_518 = arith.constant 16 : i32
        %mul3A_519 = arith.muli %scan3A_514, %mul3A_518 : i32
        %get3A = arith.constant 0 : i32
        %get3A_520 = arith.constant 0 : i32
        %get3A_521 = arith.index_cast %get3A : i32 to index
        %get3A_522 = arith.index_cast %get3A_520 : i32 to index
        %get3A_523 = arith.index_cast %mul3A_519 : i32 to index
        %get3A_524 = tpu.vector_load %arg8[%get3A_521, %get3A_522, %get3A_523] {strides = array<i32>} : memref<4x1x8192xf32, #tpu.memory_space<vmem>>, vector<1x1x16xf32>,
        %get3A_525 = vector.shape_cast %get3A_524 : vector<1x1x16xf32> to vector<16xf32>
        %get3A_526 = arith.constant 0 : i32
        %get3A_527 = arith.constant 0 : i32
        %get3A_528 = arith.index_cast %get3A_526 : i32 to index
        %get3A_529 = arith.index_cast %get3A_527 : i32 to index
        %get3A_530 = arith.index_cast %mul3A_519 : i32 to index
        %get3A_531 = tpu.vector_load %arg7[%get3A_528, %get3A_529, %get3A_530] {strides = array<i32>} : memref<4x1x8192xf32, #tpu.memory_space<vmem>>, vector<1x1x16xf32>,
        %get3A_532 = vector.shape_cast %get3A_531 : vector<1x1x16xf32> to vector<16xf32>
        %mul3A_533 = arith.mulf %get3A_525, %get3A_532 : vector<16xf32>
        %add3A_534 = arith.addf %scan3A_515, %mul3A_533 : vector<16xf32>
        %mul3A_535 = arith.mulf %get3A_525, %get3A_525 : vector<16xf32>
        %add3A_536 = arith.addf %scan3A_516, %mul3A_535 : vector<16xf32>
        %mul3A_537 = arith.mulf %get3A_532, %get3A_532 : vector<16xf32>
        %add3A_538 = arith.addf %scan3A_517, %mul3A_537 : vector<16xf32>
        %scan3A_539 = arith.constant 1 : i32
        %scan3A_540 = arith.addi %scan3A_514, %scan3A_539 : i32
        %mul3A_541 = arith.constant 16 : i32
        %mul3A_542 = arith.muli %scan3A_540, %mul3A_541 : i32
        %get3A_543 = arith.constant 0 : i32
        %get3A_544 = arith.constant 0 : i32
        %get3A_545 = arith.index_cast %get3A_543 : i32 to index
        %get3A_546 = arith.index_cast %get3A_544 : i32 to index
        %get3A_547 = arith.index_cast %mul3A_542 : i32 to index
        %get3A_548 = tpu.vector_load %arg8[%get3A_545, %get3A_546, %get3A_547] {strides = array<i32>} : memref<4x1x8192xf32, #tpu.memory_space<vmem>>, vector<1x1x16xf32>,
        %get3A_549 = vector.shape_cast %get3A_548 : vector<1x1x16xf32> to vector<16xf32>
        %get3A_550 = arith.constant 0 : i32
        %get3A_551 = arith.constant 0 : i32
        %get3A_552 = arith.index_cast %get3A_550 : i32 to index
        %get3A_553 = arith.index_cast %get3A_551 : i32 to index
        %get3A_554 = arith.index_cast %mul3A_542 : i32 to index
        %get3A_555 = tpu.vector_load %arg7[%get3A_552, %get3A_553, %get3A_554] {strides = array<i32>} : memref<4x1x8192xf32, #tpu.memory_space<vmem>>, vector<1x1x16xf32>,
        %get3A_556 = vector.shape_cast %get3A_555 : vector<1x1x16xf32> to vector<16xf32>
        %mul3A_557 = arith.mulf %get3A_549, %get3A_556 : vector<16xf32>
        %add3A_558 = arith.addf %add3A_534, %mul3A_557 : vector<16xf32>
        %mul3A_559 = arith.mulf %get3A_549, %get3A_549 : vector<16xf32>
        %add3A_560 = arith.addf %add3A_536, %mul3A_559 : vector<16xf32>
        %mul3A_561 = arith.mulf %get3A_556, %get3A_556 : vector<16xf32>
        %add3A_562 = arith.addf %add3A_538, %mul3A_561 : vector<16xf32>
        %scan3A_563 = arith.constant 2 : i32
        %scan3A_564 = arith.addi %scan3A_514, %scan3A_563 : i32
        %mul3A_565 = arith.constant 16 : i32
        %mul3A_566 = arith.muli %scan3A_564, %mul3A_565 : i32
        %get3A_567 = arith.constant 0 : i32
        %get3A_568 = arith.constant 0 : i32
        %get3A_569 = arith.index_cast %get3A_567 : i32 to index
        %get3A_570 = arith.index_cast %get3A_568 : i32 to index
        %get3A_571 = arith.index_cast %mul3A_566 : i32 to index
        %get3A_572 = tpu.vector_load %arg8[%get3A_569, %get3A_570, %get3A_571] {strides = array<i32>} : memref<4x1x8192xf32, #tpu.memory_space<vmem>>, vector<1x1x16xf32>,
        %get3A_573 = vector.shape_cast %get3A_572 : vector<1x1x16xf32> to vector<16xf32>
        %get3A_574 = arith.constant 0 : i32
        %get3A_575 = arith.constant 0 : i32
        %get3A_576 = arith.index_cast %get3A_574 : i32 to index
        %get3A_577 = arith.index_cast %get3A_575 : i32 to index
        %get3A_578 = arith.index_cast %mul3A_566 : i32 to index
        %get3A_579 = tpu.vector_load %arg7[%get3A_576, %get3A_577, %get3A_578] {strides = array<i32>} : memref<4x1x8192xf32, #tpu.memory_space<vmem>>, vector<1x1x16xf32>,
        %get3A_580 = vector.shape_cast %get3A_579 : vector<1x1x16xf32> to vector<16xf32>
        %mul3A_581 = arith.mulf %get3A_573, %get3A_580 : vector<16xf32>
        %add3A_582 = arith.addf %add3A_558, %mul3A_581 : vector<16xf32>
        %mul3A_583 = arith.mulf %get3A_573, %get3A_573 : vector<16xf32>
        %add3A_584 = arith.addf %add3A_560, %mul3A_583 : vector<16xf32>
        %mul3A_585 = arith.mulf %get3A_580, %get3A_580 : vector<16xf32>
        %add3A_586 = arith.addf %add3A_562, %mul3A_585 : vector<16xf32>
        %scan3A_587 = arith.constant 3 : i32
        %scan3A_588 = arith.addi %scan3A_514, %scan3A_587 : i32
        %mul3A_589 = arith.constant 16 : i32
        %mul3A_590 = arith.muli %scan3A_588, %mul3A_589 : i32
        %get3A_591 = arith.constant 0 : i32
        %get3A_592 = arith.constant 0 : i32
        %get3A_593 = arith.index_cast %get3A_591 : i32 to index
        %get3A_594 = arith.index_cast %get3A_592 : i32 to index
        %get3A_595 = arith.index_cast %mul3A_590 : i32 to index
        %get3A_596 = tpu.vector_load %arg8[%get3A_593, %get3A_594, %get3A_595] {strides = array<i32>} : memref<4x1x8192xf32, #tpu.memory_space<vmem>>, vector<1x1x16xf32>,
        %get3A_597 = vector.shape_cast %get3A_596 : vector<1x1x16xf32> to vector<16xf32>
        %get3A_598 = arith.constant 0 : i32
        %get3A_599 = arith.constant 0 : i32
        %get3A_600 = arith.index_cast %get3A_598 : i32 to index
        %get3A_601 = arith.index_cast %get3A_599 : i32 to index
        %get3A_602 = arith.index_cast %mul3A_590 : i32 to index
        %get3A_603 = tpu.vector_load %arg7[%get3A_600, %get3A_601, %get3A_602] {strides = array<i32>} : memref<4x1x8192xf32, #tpu.memory_space<vmem>>, vector<1x1x16xf32>,
        %get3A_604 = vector.shape_cast %get3A_603 : vector<1x1x16xf32> to vector<16xf32>
        %mul3A_605 = arith.mulf %get3A_597, %get3A_604 : vector<16xf32>
        %add3A_606 = arith.addf %add3A_582, %mul3A_605 : vector<16xf32>
        %mul3A_607 = arith.mulf %get3A_597, %get3A_597 : vector<16xf32>
        %add3A_608 = arith.addf %add3A_584, %mul3A_607 : vector<16xf32>
        %mul3A_609 = arith.mulf %get3A_604, %get3A_604 : vector<16xf32>
        %add3A_610 = arith.addf %add3A_586, %mul3A_609 : vector<16xf32>
        %scan3A_611 = arith.constant 4 : i32
        %scan3A_612 = arith.addi %scan3A_514, %scan3A_611 : i32
        %mul3A_613 = arith.constant 16 : i32
        %mul3A_614 = arith.muli %scan3A_612, %mul3A_613 : i32
        %get3A_615 = arith.constant 0 : i32
        %get3A_616 = arith.constant 0 : i32
        %get3A_617 = arith.index_cast %get3A_615 : i32 to index
        %get3A_618 = arith.index_cast %get3A_616 : i32 to index
        %get3A_619 = arith.index_cast %mul3A_614 : i32 to index
        %get3A_620 = tpu.vector_load %arg8[%get3A_617, %get3A_618, %get3A_619] {strides = array<i32>} : memref<4x1x8192xf32, #tpu.memory_space<vmem>>, vector<1x1x16xf32>,
        %get3A_621 = vector.shape_cast %get3A_620 : vector<1x1x16xf32> to vector<16xf32>
        %get3A_622 = arith.constant 0 : i32
        %get3A_623 = arith.constant 0 : i32
        %get3A_624 = arith.index_cast %get3A_622 : i32 to index
        %get3A_625 = arith.index_cast %get3A_623 : i32 to index
        %get3A_626 = arith.index_cast %mul3A_614 : i32 to index
        %get3A_627 = tpu.vector_load %arg7[%get3A_624, %get3A_625, %get3A_626] {strides = array<i32>} : memref<4x1x8192xf32, #tpu.memory_space<vmem>>, vector<1x1x16xf32>,
        %get3A_628 = vector.shape_cast %get3A_627 : vector<1x1x16xf32> to vector<16xf32>
        %mul3A_629 = arith.mulf %get3A_621, %get3A_628 : vector<16xf32>
        %add3A_630 = arith.addf %add3A_606, %mul3A_629 : vector<16xf32>
        %mul3A_631 = arith.mulf %get3A_621, %get3A_621 : vector<16xf32>
        %add3A_632 = arith.addf %add3A_608, %mul3A_631 : vector<16xf32>
        %mul3A_633 = arith.mulf %get3A_628, %get3A_628 : vector<16xf32>
        %add3A_634 = arith.addf %add3A_610, %mul3A_633 : vector<16xf32>
        %scan3A_635 = arith.constant 5 : i32
        %scan3A_636 = arith.addi %scan3A_514, %scan3A_635 : i32
        %mul3A_637 = arith.constant 16 : i32
        %mul3A_638 = arith.muli %scan3A_636, %mul3A_637 : i32
        %get3A_639 = arith.constant 0 : i32
        %get3A_640 = arith.constant 0 : i32
        %get3A_641 = arith.index_cast %get3A_639 : i32 to index
        %get3A_642 = arith.index_cast %get3A_640 : i32 to index
        %get3A_643 = arith.index_cast %mul3A_638 : i32 to index
        %get3A_644 = tpu.vector_load %arg8[%get3A_641, %get3A_642, %get3A_643] {strides = array<i32>} : memref<4x1x8192xf32, #tpu.memory_space<vmem>>, vector<1x1x16xf32>,
        %get3A_645 = vector.shape_cast %get3A_644 : vector<1x1x16xf32> to vector<16xf32>
        %get3A_646 = arith.constant 0 : i32
        %get3A_647 = arith.constant 0 : i32
        %get3A_648 = arith.index_cast %get3A_646 : i32 to index
        %get3A_649 = arith.index_cast %get3A_647 : i32 to index
        %get3A_650 = arith.index_cast %mul3A_638 : i32 to index
        %get3A_651 = tpu.vector_load %arg7[%get3A_648, %get3A_649, %get3A_650] {strides = array<i32>} : memref<4x1x8192xf32, #tpu.memory_space<vmem>>, vector<1x1x16xf32>,
        %get3A_652 = vector.shape_cast %get3A_651 : vector<1x1x16xf32> to vector<16xf32>
        %mul3A_653 = arith.mulf %get3A_645, %get3A_652 : vector<16xf32>
        %add3A_654 = arith.addf %add3A_630, %mul3A_653 : vector<16xf32>
        %mul3A_655 = arith.mulf %get3A_645, %get3A_645 : vector<16xf32>
        %add3A_656 = arith.addf %add3A_632, %mul3A_655 : vector<16xf32>
        %mul3A_657 = arith.mulf %get3A_652, %get3A_652 : vector<16xf32>
        %add3A_658 = arith.addf %add3A_634, %mul3A_657 : vector<16xf32>
        %scan3A_659 = arith.constant 6 : i32
        %scan3A_660 = arith.addi %scan3A_514, %scan3A_659 : i32
        %mul3A_661 = arith.constant 16 : i32
        %mul3A_662 = arith.muli %scan3A_660, %mul3A_661 : i32
        %get3A_663 = arith.constant 0 : i32
        %get3A_664 = arith.constant 0 : i32
        %get3A_665 = arith.index_cast %get3A_663 : i32 to index
        %get3A_666 = arith.index_cast %get3A_664 : i32 to index
        %get3A_667 = arith.index_cast %mul3A_662 : i32 to index
        %get3A_668 = tpu.vector_load %arg8[%get3A_665, %get3A_666, %get3A_667] {strides = array<i32>} : memref<4x1x8192xf32, #tpu.memory_space<vmem>>, vector<1x1x16xf32>,
        %get3A_669 = vector.shape_cast %get3A_668 : vector<1x1x16xf32> to vector<16xf32>
        %get3A_670 = arith.constant 0 : i32
        %get3A_671 = arith.constant 0 : i32
        %get3A_672 = arith.index_cast %get3A_670 : i32 to index
        %get3A_673 = arith.index_cast %get3A_671 : i32 to index
        %get3A_674 = arith.index_cast %mul3A_662 : i32 to index
        %get3A_675 = tpu.vector_load %arg7[%get3A_672, %get3A_673, %get3A_674] {strides = array<i32>} : memref<4x1x8192xf32, #tpu.memory_space<vmem>>, vector<1x1x16xf32>,
        %get3A_676 = vector.shape_cast %get3A_675 : vector<1x1x16xf32> to vector<16xf32>
        %mul3A_677 = arith.mulf %get3A_669, %get3A_676 : vector<16xf32>
        %add3A_678 = arith.addf %add3A_654, %mul3A_677 : vector<16xf32>
        %mul3A_679 = arith.mulf %get3A_669, %get3A_669 : vector<16xf32>
        %add3A_680 = arith.addf %add3A_656, %mul3A_679 : vector<16xf32>
        %mul3A_681 = arith.mulf %get3A_676, %get3A_676 : vector<16xf32>
        %add3A_682 = arith.addf %add3A_658, %mul3A_681 : vector<16xf32>
        %scan3A_683 = arith.constant 7 : i32
        %scan3A_684 = arith.addi %scan3A_514, %scan3A_683 : i32
        %mul3A_685 = arith.constant 16 : i32
        %mul3A_686 = arith.muli %scan3A_684, %mul3A_685 : i32
        %get3A_687 = arith.constant 0 : i32
        %get3A_688 = arith.constant 0 : i32
        %get3A_689 = arith.index_cast %get3A_687 : i32 to index
        %get3A_690 = arith.index_cast %get3A_688 : i32 to index
        %get3A_691 = arith.index_cast %mul3A_686 : i32 to index
        %get3A_692 = tpu.vector_load %arg8[%get3A_689, %get3A_690, %get3A_691] {strides = array<i32>} : memref<4x1x8192xf32, #tpu.memory_space<vmem>>, vector<1x1x16xf32>,
        %get3A_693 = vector.shape_cast %get3A_692 : vector<1x1x16xf32> to vector<16xf32>
        %get3A_694 = arith.constant 0 : i32
        %get3A_695 = arith.constant 0 : i32
        %get3A_696 = arith.index_cast %get3A_694 : i32 to index
        %get3A_697 = arith.index_cast %get3A_695 : i32 to index
        %get3A_698 = arith.index_cast %mul3A_686 : i32 to index
        %get3A_699 = tpu.vector_load %arg7[%get3A_696, %get3A_697, %get3A_698] {strides = array<i32>} : memref<4x1x8192xf32, #tpu.memory_space<vmem>>, vector<1x1x16xf32>,
        %get3A_700 = vector.shape_cast %get3A_699 : vector<1x1x16xf32> to vector<16xf32>
        %mul3A_701 = arith.mulf %get3A_693, %get3A_700 : vector<16xf32>
        %add3A_702 = arith.addf %add3A_678, %mul3A_701 : vector<16xf32>
        %mul3A_703 = arith.mulf %get3A_693, %get3A_693 : vector<16xf32>
        %add3A_704 = arith.addf %add3A_680, %mul3A_703 : vector<16xf32>
        %mul3A_705 = arith.mulf %get3A_700, %get3A_700 : vector<16xf32>
        %add3A_706 = arith.addf %add3A_682, %mul3A_705 : vector<16xf32>
        scf.yield %add3A_702, %add3A_704, %add3A_706 : vector<16xf32>, vector<16xf32>, vector<16xf32>
      }
      %scan3A_207 = arith.constant 512 : i32
      %swap3A = arith.constant 0 : i32
      %swap3A_208 = arith.index_cast %swap3A : i32 to index
      %swap3A_209 = arith.index_cast %add3A_152 : i32 to index
      %swap3A_210 = arith.constant 0 : index
      %swap3A_211 = tpu.vector_load %arg9[%swap3A_208, %swap3A_209, %swap3A_210] {strides = array<i32>} : memref<3x64x16xf32, #tpu.memory_space<vmem>>, vector<1x1x16xf32>,
      %swap3A_212 = vector.shape_cast %swap3A_211 : vector<1x1x16xf32> to vector<16xf32>
      %swap3A_213 = vector.shape_cast %scan3A_206#0 : vector<16xf32> to vector<1x1x16xf32>
      tpu.vector_store %arg9[%swap3A_208, %swap3A_209, %swap3A_210], %swap3A_213 {strides = array<i32>} : memref<3x64x16xf32, #tpu.memory_space<vmem>>, vector<1x1x16xf32>,
      %swap3A_214 = arith.constant 1 : i32
      %swap3A_215 = arith.index_cast %swap3A_214 : i32 to index
      %swap3A_216 = arith.index_cast %add3A_152 : i32 to index
      %swap3A_217 = arith.constant 0 : index
      %swap3A_218 = tpu.vector_load %arg9[%swap3A_215, %swap3A_216, %swap3A_217] {strides = array<i32>} : memref<3x64x16xf32, #tpu.memory_space<vmem>>, vector<1x1x16xf32>,
      %swap3A_219 = vector.shape_cast %swap3A_218 : vector<1x1x16xf32> to vector<16xf32>
      %swap3A_220 = vector.shape_cast %scan3A_206#1 : vector<16xf32> to vector<1x1x16xf32>
      tpu.vector_store %arg9[%swap3A_215, %swap3A_216, %swap3A_217], %swap3A_220 {strides = array<i32>} : memref<3x64x16xf32, #tpu.memory_space<vmem>>, vector<1x1x16xf32>,
      %swap3A_221 = arith.constant 2 : i32
      %swap3A_222 = arith.index_cast %swap3A_221 : i32 to index
      %swap3A_223 = arith.index_cast %add3A_152 : i32 to index
      %swap3A_224 = arith.constant 0 : index
      %swap3A_225 = tpu.vector_load %arg9[%swap3A_222, %swap3A_223, %swap3A_224] {strides = array<i32>} : memref<3x64x16xf32, #tpu.memory_space<vmem>>, vector<1x1x16xf32>,
      %swap3A_226 = vector.shape_cast %swap3A_225 : vector<1x1x16xf32> to vector<16xf32>
      %swap3A_227 = vector.shape_cast %scan3A_206#2 : vector<16xf32> to vector<1x1x16xf32>
      tpu.vector_store %arg9[%swap3A_222, %swap3A_223, %swap3A_224], %swap3A_227 {strides = array<i32>} : memref<3x64x16xf32, #tpu.memory_space<vmem>>, vector<1x1x16xf32>,
      %add3A_228 = arith.constant 4 : i32
      %add3A_229 = arith.addi %add3A_152, %add3A_228 : i32
      %lt3A = arith.constant 64 : i32
      %lt3A_230 = arith.cmpi slt, %add3A_229, %lt3A : i32
      %convert_element_type3A = arith.extui %lt3A_230 : i1 to i32
      %cond3A = arith.constant 0 : i32
      %cond3A_231 = arith.cmpi ne, %convert_element_type3A, %cond3A : i32
      scf.if %cond3A_231 {
        %add3A_514 = arith.constant 4 : i32
        %add3A_515 = arith.addi %add3A_152, %add3A_514 : i32
        %jit3A_516 = arith.constant 32 : i32
        %div3A_517 = arith.divsi %add3A_515, %jit3A_516 : i32
        %sign3A_518 = arith.constant 0 : i32
        %sign3A_519 = arith.cmpi sgt, %add3A_515, %sign3A_518 : i32
        %sign3A_520 = arith.extui %sign3A_519 : i1 to i32
        %sign3A_521 = arith.constant 0 : i32
        %sign3A_522 = arith.cmpi slt, %add3A_515, %sign3A_521 : i32
        %sign3A_523 = arith.extui %sign3A_522 : i1 to i32
        %sign3A_524 = arith.subi %sign3A_520, %sign3A_523 : i32
        %sign3A_525 = arith.constant 0 : i32
        %sign3A_526 = arith.cmpi sgt, %jit3A_516, %sign3A_525 : i32
        %sign3A_527 = arith.extui %sign3A_526 : i1 to i32
        %sign3A_528 = arith.constant 0 : i32
        %sign3A_529 = arith.cmpi slt, %jit3A_516, %sign3A_528 : i32
        %sign3A_530 = arith.extui %sign3A_529 : i1 to i32
        %sign3A_531 = arith.subi %sign3A_527, %sign3A_530 : i32
        %ne3A_532 = arith.cmpi ne, %sign3A_524, %sign3A_531 : i32
        %rem3A_533 = arith.remsi %add3A_515, %jit3A_516 : i32
        %ne3A_534 = arith.constant 0 : i32
        %ne3A_535 = arith.cmpi ne, %rem3A_533, %ne3A_534 : i32
        %and3A_536 = arith.andi %ne3A_532, %ne3A_535 : i1
        %sub3A_537 = arith.constant 1 : i32
        %sub3A_538 = arith.subi %div3A_517, %sub3A_537 : i32
        %select_n3A_539 = arith.select %and3A_536, %sub3A_538, %div3A_517 : i32
        %rem3A_540 = arith.constant 32 : i32
        %rem3A_541 = arith.remsi %add3A_515, %rem3A_540 : i32
        %dma_start3A_542 = arith.constant 0 : i32
        %dma_start3A_543 = arith.constant 0 : i32
        %dma_start3A_544 = arith.constant 0 : i32
        %dma_start3A_545 = arith.constant 0 : i32
        %dma_start3A_546 = tpu.memref_slice %arg7[%dma_start3A_542, %dma_start3A_544, %dma_start3A_545] : memref<4x1x8192xf32, #tpu.memory_space<vmem>> -> memref<1x1x8192xf32, #tpu.memory_space<vmem>>
        %dma_start3A_547 = tpu.memref_squeeze %dma_start3A_546 : memref<1x1x8192xf32, #tpu.memory_space<vmem>> -> memref<1x8192xf32, #tpu.memory_space<vmem>>
        %dma_start3A_548 = tpu.memref_slice %arg6[%select_n3A_539, %rem3A_541] : memref<2x32xi32, #tpu.memory_space<vmem>> -> memref<1x1xi32, #tpu.memory_space<vmem>>
        %dma_start3A_549 = tpu.memref_squeeze %dma_start3A_548 : memref<1x1xi32, #tpu.memory_space<vmem>> -> memref<1xi32, #tpu.memory_space<vmem>>
        %dma_start3A_550 = arith.constant 0 : i32
        %dma_start3A_551 = arith.constant 0 : i32
        %dma_start3A_552 = tpu.memref_slice %arg3[%dma_start3A_550, %dma_start3A_551] : memref<8192x8192xf32, #tpu.memory_space<hbm>> -> memref<8192x8192xf32, #tpu.memory_space<hbm>>
        %dma_start3A_553 = tpu.memref_slice %arg10[%dma_start3A_543] : memref<4x!tpu.dma_semaphore, #tpu.memory_space<semaphore_mem>> -> memref<1x!tpu.dma_semaphore, #tpu.memory_space<semaphore_mem>>
        %dma_start3A_554 = tpu.memref_squeeze %dma_start3A_553 : memref<1x!tpu.dma_semaphore, #tpu.memory_space<semaphore_mem>> -> memref<!tpu.dma_semaphore, #tpu.memory_space<semaphore_mem>>
        tpu.enqueue_indirect_dma source(%dma_start3A_552 : memref<8192x8192xf32, #tpu.memory_space<hbm>>) target(%dma_start3A_547 : memref<1x8192xf32, #tpu.memory_space<vmem>>) offsets(%dma_start3A_549 : memref<1xi32, #tpu.memory_space<vmem>>) semaphore(%dma_start3A_554 : memref<!tpu.dma_semaphore, #tpu.memory_space<semaphore_mem>>)
        %add3A_555 = arith.addi %mul3A_2, %add3A_515 : i32
        %dma_start3A_556 = arith.constant 0 : i32
        %dma_start3A_557 = arith.constant 0 : i32
        %dma_start3A_558 = arith.constant 0 : i32
        %dma_start3A_559 = arith.constant 0 : i32
        %dma_start3A_560 = tpu.memref_slice %arg8[%dma_start3A_556, %dma_start3A_558, %dma_start3A_559] : memref<4x1x8192xf32, #tpu.memory_space<vmem>> -> memref<1x1x8192xf32, #tpu.memory_space<vmem>>
        %dma_start3A_561 = tpu.memref_squeeze %dma_start3A_560 : memref<1x1x8192xf32, #tpu.memory_space<vmem>> -> memref<1x8192xf32, #tpu.memory_space<vmem>>
        %dma_start3A_562 = arith.constant 0 : i32
        %dma_start3A_563 = tpu.memref_slice %arg2[%add3A_555, %dma_start3A_562] : memref<2048x8192xf32, #tpu.memory_space<hbm>> -> memref<1x8192xf32, #tpu.memory_space<hbm>>
        %dma_start3A_564 = tpu.memref_slice %arg11[%dma_start3A_557] : memref<4x!tpu.dma_semaphore, #tpu.memory_space<semaphore_mem>> -> memref<1x!tpu.dma_semaphore, #tpu.memory_space<semaphore_mem>>
        %dma_start3A_565 = tpu.memref_squeeze %dma_start3A_564 : memref<1x!tpu.dma_semaphore, #tpu.memory_space<semaphore_mem>> -> memref<!tpu.dma_semaphore, #tpu.memory_space<semaphore_mem>>
        %dma_start3A_566 = arith.constant 0 : i32
        %dma_start3A_567 = arith.constant 0 : i32
        %dma_start3A_568 = tpu.memref_slice %arg8[%dma_start3A_556, %dma_start3A_566, %dma_start3A_567] : memref<4x1x8192xf32, #tpu.memory_space<vmem>> -> memref<1x1x8192xf32, #tpu.memory_space<vmem>>
        %dma_start3A_569 = tpu.memref_squeeze %dma_start3A_568 : memref<1x1x8192xf32, #tpu.memory_space<vmem>> -> memref<1x8192xf32, #tpu.memory_space<vmem>>
        %dma_start3A_570 = arith.constant 0 : i32
        %dma_start3A_571 = tpu.memref_slice %arg2[%add3A_555, %dma_start3A_570] : memref<2048x8192xf32, #tpu.memory_space<hbm>> -> memref<1x8192xf32, #tpu.memory_space<hbm>>
        tpu.enqueue_dma source(%dma_start3A_571 : memref<1x8192xf32, #tpu.memory_space<hbm>>) target(%dma_start3A_569 : memref<1x8192xf32, #tpu.memory_space<vmem>>) target_semaphore(%dma_start3A_565 : memref<!tpu.dma_semaphore, #tpu.memory_space<semaphore_mem>>)
      } else {
      }
      %add3A_232 = arith.constant 1 : i32
      %add3A_233 = arith.addi %mul3A_150, %add3A_232 : i32
      %jit3A_234 = arith.constant 32 : i32
      %div3A_235 = arith.divsi %add3A_233, %jit3A_234 : i32
      %sign3A_236 = arith.constant 0 : i32
      %sign3A_237 = arith.cmpi sgt, %add3A_233, %sign3A_236 : i32
      %sign3A_238 = arith.extui %sign3A_237 : i1 to i32
      %sign3A_239 = arith.constant 0 : i32
      %sign3A_240 = arith.cmpi slt, %add3A_233, %sign3A_239 : i32
      %sign3A_241 = arith.extui %sign3A_240 : i1 to i32
      %sign3A_242 = arith.subi %sign3A_238, %sign3A_241 : i32
      %sign3A_243 = arith.constant 0 : i32
      %sign3A_244 = arith.cmpi sgt, %jit3A_234, %sign3A_243 : i32
      %sign3A_245 = arith.extui %sign3A_244 : i1 to i32
      %sign3A_246 = arith.constant 0 : i32
      %sign3A_247 = arith.cmpi slt, %jit3A_234, %sign3A_246 : i32
      %sign3A_248 = arith.extui %sign3A_247 : i1 to i32
      %sign3A_249 = arith.subi %sign3A_245, %sign3A_248 : i32
      %ne3A_250 = arith.cmpi ne, %sign3A_242, %sign3A_249 : i32
      %rem3A_251 = arith.remsi %add3A_233, %jit3A_234 : i32
      %ne3A_252 = arith.constant 0 : i32
      %ne3A_253 = arith.cmpi ne, %rem3A_251, %ne3A_252 : i32
      %and3A_254 = arith.andi %ne3A_250, %ne3A_253 : i1
      %sub3A_255 = arith.constant 1 : i32
      %sub3A_256 = arith.subi %div3A_235, %sub3A_255 : i32
      %select_n3A_257 = arith.select %and3A_254, %sub3A_256, %div3A_235 : i32
      %rem3A_258 = arith.constant 32 : i32
      %rem3A_259 = arith.remsi %add3A_233, %rem3A_258 : i32
      %dma_wait3A_260 = arith.constant 1 : i32
      %dma_wait3A_261 = arith.constant 1 : i32
      %dma_wait3A_262 = arith.constant 0 : i32
      %dma_wait3A_263 = arith.constant 0 : i32
      %dma_wait3A_264 = tpu.memref_slice %arg7[%dma_wait3A_260, %dma_wait3A_262, %dma_wait3A_263] : memref<4x1x8192xf32, #tpu.memory_space<vmem>> -> memref<1x1x8192xf32, #tpu.memory_space<vmem>>
      %dma_wait3A_265 = tpu.memref_squeeze %dma_wait3A_264 : memref<1x1x8192xf32, #tpu.memory_space<vmem>> -> memref<1x8192xf32, #tpu.memory_space<vmem>>
      %dma_wait3A_266 = tpu.memref_slice %arg6[%select_n3A_257, %rem3A_259] : memref<2x32xi32, #tpu.memory_space<vmem>> -> memref<1x1xi32, #tpu.memory_space<vmem>>
      %dma_wait3A_267 = tpu.memref_squeeze %dma_wait3A_266 : memref<1x1xi32, #tpu.memory_space<vmem>> -> memref<1xi32, #tpu.memory_space<vmem>>
      %dma_wait3A_268 = arith.constant 0 : i32
      %dma_wait3A_269 = arith.constant 0 : i32
      %dma_wait3A_270 = tpu.memref_slice %arg3[%dma_wait3A_268, %dma_wait3A_269] : memref<8192x8192xf32, #tpu.memory_space<hbm>> -> memref<8192x8192xf32, #tpu.memory_space<hbm>>
      %dma_wait3A_271 = tpu.memref_slice %arg10[%dma_wait3A_261] : memref<4x!tpu.dma_semaphore, #tpu.memory_space<semaphore_mem>> -> memref<1x!tpu.dma_semaphore, #tpu.memory_space<semaphore_mem>>
      %dma_wait3A_272 = tpu.memref_squeeze %dma_wait3A_271 : memref<1x!tpu.dma_semaphore, #tpu.memory_space<semaphore_mem>> -> memref<!tpu.dma_semaphore, #tpu.memory_space<semaphore_mem>>
      tpu.wait_indirect_dma semaphore(%dma_wait3A_272 : memref<!tpu.dma_semaphore, #tpu.memory_space<semaphore_mem>>) src(%dma_wait3A_270 : memref<8192x8192xf32, #tpu.memory_space<hbm>>) dst(%dma_wait3A_265 : memref<1x8192xf32, #tpu.memory_space<vmem>>)
      %add3A_273 = arith.addi %mul3A_2, %add3A_233 : i32
      %dma_wait3A_274 = arith.constant 1 : i32
      %dma_wait3A_275 = arith.constant 1 : i32
      %dma_wait3A_276 = arith.constant 0 : i32
      %dma_wait3A_277 = arith.constant 0 : i32
      %dma_wait3A_278 = tpu.memref_slice %arg8[%dma_wait3A_274, %dma_wait3A_276, %dma_wait3A_277] : memref<4x1x8192xf32, #tpu.memory_space<vmem>> -> memref<1x1x8192xf32, #tpu.memory_space<vmem>>
      %dma_wait3A_279 = tpu.memref_squeeze %dma_wait3A_278 : memref<1x1x8192xf32, #tpu.memory_space<vmem>> -> memref<1x8192xf32, #tpu.memory_space<vmem>>
      %dma_wait3A_280 = arith.constant 0 : i32
      %dma_wait3A_281 = tpu.memref_slice %arg2[%add3A_273, %dma_wait3A_280] : memref<2048x8192xf32, #tpu.memory_space<hbm>> -> memref<1x8192xf32, #tpu.memory_space<hbm>>
      %dma_wait3A_282 = tpu.memref_slice %arg11[%dma_wait3A_275] : memref<4x!tpu.dma_semaphore, #tpu.memory_space<semaphore_mem>> -> memref<1x!tpu.dma_semaphore, #tpu.memory_space<semaphore_mem>>
      %dma_wait3A_283 = tpu.memref_squeeze %dma_wait3A_282 : memref<1x!tpu.dma_semaphore, #tpu.memory_space<semaphore_mem>> -> memref<!tpu.dma_semaphore, #tpu.memory_space<semaphore_mem>>
      %dma_wait3A_284 = arith.constant 0 : i32
      %dma_wait3A_285 = arith.constant 0 : i32
      %dma_wait3A_286 = tpu.memref_slice %arg8[%dma_wait3A_274, %dma_wait3A_284, %dma_wait3A_285] : memref<4x1x8192xf32, #tpu.memory_space<vmem>> -> memref<1x1x8192xf32, #tpu.memory_space<vmem>>
      %dma_wait3A_287 = tpu.memref_squeeze %dma_wait3A_286 : memref<1x1x8192xf32, #tpu.memory_space<vmem>> -> memref<1x8192xf32, #tpu.memory_space<vmem>>
      %dma_wait3A_288 = arith.constant 0 : i32
      %dma_wait3A_289 = tpu.memref_slice %arg2[%add3A_273, %dma_wait3A_288] : memref<2048x8192xf32, #tpu.memory_space<hbm>> -> memref<1x8192xf32, #tpu.memory_space<hbm>>
      tpu.wait_dma2 semaphore(%dma_wait3A_283 : memref<!tpu.dma_semaphore, #tpu.memory_space<semaphore_mem>>) src(%dma_wait3A_289 : memref<1x8192xf32, #tpu.memory_space<hbm>>) dst(%dma_wait3A_287 : memref<1x8192xf32, #tpu.memory_space<vmem>>)
      %broadcast_in_dim3A_290 = arith.constant 0.000000e+00 : f32
      %broadcast_in_dim3A_291 = vector.broadcast %broadcast_in_dim3A_290 : f32 to vector<16xf32>
      %scan3A_292 = arith.constant 0 : i32
      %scan3A_293 = arith.constant 512 : i32
      %scan3A_294 = arith.addi %scan3A_292, %scan3A_293 : i32
      %scan3A_295 = arith.constant 8 : i32
      %scan3A_296:3 = scf.for %scan3A_514 = %scan3A_292 to %scan3A_294 step %scan3A_295 iter_args(%scan3A_515 = %broadcast_in_dim3A_291, %scan3A_516 = %broadcast_in_dim3A_291, %scan3A_517 = %broadcast_in_dim3A_291) -> (vector<16xf32>, vector<16xf32>, vector<16xf32>)  : i32 {
        %mul3A_518 = arith.constant 16 : i32
        %mul3A_519 = arith.muli %scan3A_514, %mul3A_518 : i32
        %get3A = arith.constant 1 : i32
        %get3A_520 = arith.constant 0 : i32
        %get3A_521 = arith.index_cast %get3A : i32 to index
        %get3A_522 = arith.index_cast %get3A_520 : i32 to index
        %get3A_523 = arith.index_cast %mul3A_519 : i32 to index
        %get3A_524 = tpu.vector_load %arg8[%get3A_521, %get3A_522, %get3A_523] {strides = array<i32>} : memref<4x1x8192xf32, #tpu.memory_space<vmem>>, vector<1x1x16xf32>,
        %get3A_525 = vector.shape_cast %get3A_524 : vector<1x1x16xf32> to vector<16xf32>
        %get3A_526 = arith.constant 1 : i32
        %get3A_527 = arith.constant 0 : i32
        %get3A_528 = arith.index_cast %get3A_526 : i32 to index
        %get3A_529 = arith.index_cast %get3A_527 : i32 to index
        %get3A_530 = arith.index_cast %mul3A_519 : i32 to index
        %get3A_531 = tpu.vector_load %arg7[%get3A_528, %get3A_529, %get3A_530] {strides = array<i32>} : memref<4x1x8192xf32, #tpu.memory_space<vmem>>, vector<1x1x16xf32>,
        %get3A_532 = vector.shape_cast %get3A_531 : vector<1x1x16xf32> to vector<16xf32>
        %mul3A_533 = arith.mulf %get3A_525, %get3A_532 : vector<16xf32>
        %add3A_534 = arith.addf %scan3A_515, %mul3A_533 : vector<16xf32>
        %mul3A_535 = arith.mulf %get3A_525, %get3A_525 : vector<16xf32>
        %add3A_536 = arith.addf %scan3A_516, %mul3A_535 : vector<16xf32>
        %mul3A_537 = arith.mulf %get3A_532, %get3A_532 : vector<16xf32>
        %add3A_538 = arith.addf %scan3A_517, %mul3A_537 : vector<16xf32>
        %scan3A_539 = arith.constant 1 : i32
        %scan3A_540 = arith.addi %scan3A_514, %scan3A_539 : i32
        %mul3A_541 = arith.constant 16 : i32
        %mul3A_542 = arith.muli %scan3A_540, %mul3A_541 : i32
        %get3A_543 = arith.constant 1 : i32
        %get3A_544 = arith.constant 0 : i32
        %get3A_545 = arith.index_cast %get3A_543 : i32 to index
        %get3A_546 = arith.index_cast %get3A_544 : i32 to index
        %get3A_547 = arith.index_cast %mul3A_542 : i32 to index
        %get3A_548 = tpu.vector_load %arg8[%get3A_545, %get3A_546, %get3A_547] {strides = array<i32>} : memref<4x1x8192xf32, #tpu.memory_space<vmem>>, vector<1x1x16xf32>,
        %get3A_549 = vector.shape_cast %get3A_548 : vector<1x1x16xf32> to vector<16xf32>
        %get3A_550 = arith.constant 1 : i32
        %get3A_551 = arith.constant 0 : i32
        %get3A_552 = arith.index_cast %get3A_550 : i32 to index
        %get3A_553 = arith.index_cast %get3A_551 : i32 to index
        %get3A_554 = arith.index_cast %mul3A_542 : i32 to index
        %get3A_555 = tpu.vector_load %arg7[%get3A_552, %get3A_553, %get3A_554] {strides = array<i32>} : memref<4x1x8192xf32, #tpu.memory_space<vmem>>, vector<1x1x16xf32>,
        %get3A_556 = vector.shape_cast %get3A_555 : vector<1x1x16xf32> to vector<16xf32>
        %mul3A_557 = arith.mulf %get3A_549, %get3A_556 : vector<16xf32>
        %add3A_558 = arith.addf %add3A_534, %mul3A_557 : vector<16xf32>
        %mul3A_559 = arith.mulf %get3A_549, %get3A_549 : vector<16xf32>
        %add3A_560 = arith.addf %add3A_536, %mul3A_559 : vector<16xf32>
        %mul3A_561 = arith.mulf %get3A_556, %get3A_556 : vector<16xf32>
        %add3A_562 = arith.addf %add3A_538, %mul3A_561 : vector<16xf32>
        %scan3A_563 = arith.constant 2 : i32
        %scan3A_564 = arith.addi %scan3A_514, %scan3A_563 : i32
        %mul3A_565 = arith.constant 16 : i32
        %mul3A_566 = arith.muli %scan3A_564, %mul3A_565 : i32
        %get3A_567 = arith.constant 1 : i32
        %get3A_568 = arith.constant 0 : i32
        %get3A_569 = arith.index_cast %get3A_567 : i32 to index
        %get3A_570 = arith.index_cast %get3A_568 : i32 to index
        %get3A_571 = arith.index_cast %mul3A_566 : i32 to index
        %get3A_572 = tpu.vector_load %arg8[%get3A_569, %get3A_570, %get3A_571] {strides = array<i32>} : memref<4x1x8192xf32, #tpu.memory_space<vmem>>, vector<1x1x16xf32>,
        %get3A_573 = vector.shape_cast %get3A_572 : vector<1x1x16xf32> to vector<16xf32>
        %get3A_574 = arith.constant 1 : i32
        %get3A_575 = arith.constant 0 : i32
        %get3A_576 = arith.index_cast %get3A_574 : i32 to index
        %get3A_577 = arith.index_cast %get3A_575 : i32 to index
        %get3A_578 = arith.index_cast %mul3A_566 : i32 to index
        %get3A_579 = tpu.vector_load %arg7[%get3A_576, %get3A_577, %get3A_578] {strides = array<i32>} : memref<4x1x8192xf32, #tpu.memory_space<vmem>>, vector<1x1x16xf32>,
        %get3A_580 = vector.shape_cast %get3A_579 : vector<1x1x16xf32> to vector<16xf32>
        %mul3A_581 = arith.mulf %get3A_573, %get3A_580 : vector<16xf32>
        %add3A_582 = arith.addf %add3A_558, %mul3A_581 : vector<16xf32>
        %mul3A_583 = arith.mulf %get3A_573, %get3A_573 : vector<16xf32>
        %add3A_584 = arith.addf %add3A_560, %mul3A_583 : vector<16xf32>
        %mul3A_585 = arith.mulf %get3A_580, %get3A_580 : vector<16xf32>
        %add3A_586 = arith.addf %add3A_562, %mul3A_585 : vector<16xf32>
        %scan3A_587 = arith.constant 3 : i32
        %scan3A_588 = arith.addi %scan3A_514, %scan3A_587 : i32
        %mul3A_589 = arith.constant 16 : i32
        %mul3A_590 = arith.muli %scan3A_588, %mul3A_589 : i32
        %get3A_591 = arith.constant 1 : i32
        %get3A_592 = arith.constant 0 : i32
        %get3A_593 = arith.index_cast %get3A_591 : i32 to index
        %get3A_594 = arith.index_cast %get3A_592 : i32 to index
        %get3A_595 = arith.index_cast %mul3A_590 : i32 to index
        %get3A_596 = tpu.vector_load %arg8[%get3A_593, %get3A_594, %get3A_595] {strides = array<i32>} : memref<4x1x8192xf32, #tpu.memory_space<vmem>>, vector<1x1x16xf32>,
        %get3A_597 = vector.shape_cast %get3A_596 : vector<1x1x16xf32> to vector<16xf32>
        %get3A_598 = arith.constant 1 : i32
        %get3A_599 = arith.constant 0 : i32
        %get3A_600 = arith.index_cast %get3A_598 : i32 to index
        %get3A_601 = arith.index_cast %get3A_599 : i32 to index
        %get3A_602 = arith.index_cast %mul3A_590 : i32 to index
        %get3A_603 = tpu.vector_load %arg7[%get3A_600, %get3A_601, %get3A_602] {strides = array<i32>} : memref<4x1x8192xf32, #tpu.memory_space<vmem>>, vector<1x1x16xf32>,
        %get3A_604 = vector.shape_cast %get3A_603 : vector<1x1x16xf32> to vector<16xf32>
        %mul3A_605 = arith.mulf %get3A_597, %get3A_604 : vector<16xf32>
        %add3A_606 = arith.addf %add3A_582, %mul3A_605 : vector<16xf32>
        %mul3A_607 = arith.mulf %get3A_597, %get3A_597 : vector<16xf32>
        %add3A_608 = arith.addf %add3A_584, %mul3A_607 : vector<16xf32>
        %mul3A_609 = arith.mulf %get3A_604, %get3A_604 : vector<16xf32>
        %add3A_610 = arith.addf %add3A_586, %mul3A_609 : vector<16xf32>
        %scan3A_611 = arith.constant 4 : i32
        %scan3A_612 = arith.addi %scan3A_514, %scan3A_611 : i32
        %mul3A_613 = arith.constant 16 : i32
        %mul3A_614 = arith.muli %scan3A_612, %mul3A_613 : i32
        %get3A_615 = arith.constant 1 : i32
        %get3A_616 = arith.constant 0 : i32
        %get3A_617 = arith.index_cast %get3A_615 : i32 to index
        %get3A_618 = arith.index_cast %get3A_616 : i32 to index
        %get3A_619 = arith.index_cast %mul3A_614 : i32 to index
        %get3A_620 = tpu.vector_load %arg8[%get3A_617, %get3A_618, %get3A_619] {strides = array<i32>} : memref<4x1x8192xf32, #tpu.memory_space<vmem>>, vector<1x1x16xf32>,
        %get3A_621 = vector.shape_cast %get3A_620 : vector<1x1x16xf32> to vector<16xf32>
        %get3A_622 = arith.constant 1 : i32
        %get3A_623 = arith.constant 0 : i32
        %get3A_624 = arith.index_cast %get3A_622 : i32 to index
        %get3A_625 = arith.index_cast %get3A_623 : i32 to index
        %get3A_626 = arith.index_cast %mul3A_614 : i32 to index
        %get3A_627 = tpu.vector_load %arg7[%get3A_624, %get3A_625, %get3A_626] {strides = array<i32>} : memref<4x1x8192xf32, #tpu.memory_space<vmem>>, vector<1x1x16xf32>,
        %get3A_628 = vector.shape_cast %get3A_627 : vector<1x1x16xf32> to vector<16xf32>
        %mul3A_629 = arith.mulf %get3A_621, %get3A_628 : vector<16xf32>
        %add3A_630 = arith.addf %add3A_606, %mul3A_629 : vector<16xf32>
        %mul3A_631 = arith.mulf %get3A_621, %get3A_621 : vector<16xf32>
        %add3A_632 = arith.addf %add3A_608, %mul3A_631 : vector<16xf32>
        %mul3A_633 = arith.mulf %get3A_628, %get3A_628 : vector<16xf32>
        %add3A_634 = arith.addf %add3A_610, %mul3A_633 : vector<16xf32>
        %scan3A_635 = arith.constant 5 : i32
        %scan3A_636 = arith.addi %scan3A_514, %scan3A_635 : i32
        %mul3A_637 = arith.constant 16 : i32
        %mul3A_638 = arith.muli %scan3A_636, %mul3A_637 : i32
        %get3A_639 = arith.constant 1 : i32
        %get3A_640 = arith.constant 0 : i32
        %get3A_641 = arith.index_cast %get3A_639 : i32 to index
        %get3A_642 = arith.index_cast %get3A_640 : i32 to index
        %get3A_643 = arith.index_cast %mul3A_638 : i32 to index
        %get3A_644 = tpu.vector_load %arg8[%get3A_641, %get3A_642, %get3A_643] {strides = array<i32>} : memref<4x1x8192xf32, #tpu.memory_space<vmem>>, vector<1x1x16xf32>,
        %get3A_645 = vector.shape_cast %get3A_644 : vector<1x1x16xf32> to vector<16xf32>
        %get3A_646 = arith.constant 1 : i32
        %get3A_647 = arith.constant 0 : i32
        %get3A_648 = arith.index_cast %get3A_646 : i32 to index
        %get3A_649 = arith.index_cast %get3A_647 : i32 to index
        %get3A_650 = arith.index_cast %mul3A_638 : i32 to index
        %get3A_651 = tpu.vector_load %arg7[%get3A_648, %get3A_649, %get3A_650] {strides = array<i32>} : memref<4x1x8192xf32, #tpu.memory_space<vmem>>, vector<1x1x16xf32>,
        %get3A_652 = vector.shape_cast %get3A_651 : vector<1x1x16xf32> to vector<16xf32>
        %mul3A_653 = arith.mulf %get3A_645, %get3A_652 : vector<16xf32>
        %add3A_654 = arith.addf %add3A_630, %mul3A_653 : vector<16xf32>
        %mul3A_655 = arith.mulf %get3A_645, %get3A_645 : vector<16xf32>
        %add3A_656 = arith.addf %add3A_632, %mul3A_655 : vector<16xf32>
        %mul3A_657 = arith.mulf %get3A_652, %get3A_652 : vector<16xf32>
        %add3A_658 = arith.addf %add3A_634, %mul3A_657 : vector<16xf32>
        %scan3A_659 = arith.constant 6 : i32
        %scan3A_660 = arith.addi %scan3A_514, %scan3A_659 : i32
        %mul3A_661 = arith.constant 16 : i32
        %mul3A_662 = arith.muli %scan3A_660, %mul3A_661 : i32
        %get3A_663 = arith.constant 1 : i32
        %get3A_664 = arith.constant 0 : i32
        %get3A_665 = arith.index_cast %get3A_663 : i32 to index
        %get3A_666 = arith.index_cast %get3A_664 : i32 to index
        %get3A_667 = arith.index_cast %mul3A_662 : i32 to index
        %get3A_668 = tpu.vector_load %arg8[%get3A_665, %get3A_666, %get3A_667] {strides = array<i32>} : memref<4x1x8192xf32, #tpu.memory_space<vmem>>, vector<1x1x16xf32>,
        %get3A_669 = vector.shape_cast %get3A_668 : vector<1x1x16xf32> to vector<16xf32>
        %get3A_670 = arith.constant 1 : i32
        %get3A_671 = arith.constant 0 : i32
        %get3A_672 = arith.index_cast %get3A_670 : i32 to index
        %get3A_673 = arith.index_cast %get3A_671 : i32 to index
        %get3A_674 = arith.index_cast %mul3A_662 : i32 to index
        %get3A_675 = tpu.vector_load %arg7[%get3A_672, %get3A_673, %get3A_674] {strides = array<i32>} : memref<4x1x8192xf32, #tpu.memory_space<vmem>>, vector<1x1x16xf32>,
        %get3A_676 = vector.shape_cast %get3A_675 : vector<1x1x16xf32> to vector<16xf32>
        %mul3A_677 = arith.mulf %get3A_669, %get3A_676 : vector<16xf32>
        %add3A_678 = arith.addf %add3A_654, %mul3A_677 : vector<16xf32>
        %mul3A_679 = arith.mulf %get3A_669, %get3A_669 : vector<16xf32>
        %add3A_680 = arith.addf %add3A_656, %mul3A_679 : vector<16xf32>
        %mul3A_681 = arith.mulf %get3A_676, %get3A_676 : vector<16xf32>
        %add3A_682 = arith.addf %add3A_658, %mul3A_681 : vector<16xf32>
        %scan3A_683 = arith.constant 7 : i32
        %scan3A_684 = arith.addi %scan3A_514, %scan3A_683 : i32
        %mul3A_685 = arith.constant 16 : i32
        %mul3A_686 = arith.muli %scan3A_684, %mul3A_685 : i32
        %get3A_687 = arith.constant 1 : i32
        %get3A_688 = arith.constant 0 : i32
        %get3A_689 = arith.index_cast %get3A_687 : i32 to index
        %get3A_690 = arith.index_cast %get3A_688 : i32 to index
        %get3A_691 = arith.index_cast %mul3A_686 : i32 to index
        %get3A_692 = tpu.vector_load %arg8[%get3A_689, %get3A_690, %get3A_691] {strides = array<i32>} : memref<4x1x8192xf32, #tpu.memory_space<vmem>>, vector<1x1x16xf32>,
        %get3A_693 = vector.shape_cast %get3A_692 : vector<1x1x16xf32> to vector<16xf32>
        %get3A_694 = arith.constant 1 : i32
        %get3A_695 = arith.constant 0 : i32
        %get3A_696 = arith.index_cast %get3A_694 : i32 to index
        %get3A_697 = arith.index_cast %get3A_695 : i32 to index
        %get3A_698 = arith.index_cast %mul3A_686 : i32 to index
        %get3A_699 = tpu.vector_load %arg7[%get3A_696, %get3A_697, %get3A_698] {strides = array<i32>} : memref<4x1x8192xf32, #tpu.memory_space<vmem>>, vector<1x1x16xf32>,
        %get3A_700 = vector.shape_cast %get3A_699 : vector<1x1x16xf32> to vector<16xf32>
        %mul3A_701 = arith.mulf %get3A_693, %get3A_700 : vector<16xf32>
        %add3A_702 = arith.addf %add3A_678, %mul3A_701 : vector<16xf32>
        %mul3A_703 = arith.mulf %get3A_693, %get3A_693 : vector<16xf32>
        %add3A_704 = arith.addf %add3A_680, %mul3A_703 : vector<16xf32>
        %mul3A_705 = arith.mulf %get3A_700, %get3A_700 : vector<16xf32>
        %add3A_706 = arith.addf %add3A_682, %mul3A_705 : vector<16xf32>
        scf.yield %add3A_702, %add3A_704, %add3A_706 : vector<16xf32>, vector<16xf32>, vector<16xf32>
      }
      %scan3A_297 = arith.constant 512 : i32
      %swap3A_298 = arith.constant 0 : i32
      %swap3A_299 = arith.index_cast %swap3A_298 : i32 to index
      %swap3A_300 = arith.index_cast %add3A_233 : i32 to index
      %swap3A_301 = arith.constant 0 : index
      %swap3A_302 = tpu.vector_load %arg9[%swap3A_299, %swap3A_300, %swap3A_301] {strides = array<i32>} : memref<3x64x16xf32, #tpu.memory_space<vmem>>, vector<1x1x16xf32>,
      %swap3A_303 = vector.shape_cast %swap3A_302 : vector<1x1x16xf32> to vector<16xf32>
      %swap3A_304 = vector.shape_cast %scan3A_296#0 : vector<16xf32> to vector<1x1x16xf32>
      tpu.vector_store %arg9[%swap3A_299, %swap3A_300, %swap3A_301], %swap3A_304 {strides = array<i32>} : memref<3x64x16xf32, #tpu.memory_space<vmem>>, vector<1x1x16xf32>,
      %swap3A_305 = arith.constant 1 : i32
      %swap3A_306 = arith.index_cast %swap3A_305 : i32 to index
      %swap3A_307 = arith.index_cast %add3A_233 : i32 to index
      %swap3A_308 = arith.constant 0 : index
      %swap3A_309 = tpu.vector_load %arg9[%swap3A_306, %swap3A_307, %swap3A_308] {strides = array<i32>} : memref<3x64x16xf32, #tpu.memory_space<vmem>>, vector<1x1x16xf32>,
      %swap3A_310 = vector.shape_cast %swap3A_309 : vector<1x1x16xf32> to vector<16xf32>
      %swap3A_311 = vector.shape_cast %scan3A_296#1 : vector<16xf32> to vector<1x1x16xf32>
      tpu.vector_store %arg9[%swap3A_306, %swap3A_307, %swap3A_308], %swap3A_311 {strides = array<i32>} : memref<3x64x16xf32, #tpu.memory_space<vmem>>, vector<1x1x16xf32>,
      %swap3A_312 = arith.constant 2 : i32
      %swap3A_313 = arith.index_cast %swap3A_312 : i32 to index
      %swap3A_314 = arith.index_cast %add3A_233 : i32 to index
      %swap3A_315 = arith.constant 0 : index
      %swap3A_316 = tpu.vector_load %arg9[%swap3A_313, %swap3A_314, %swap3A_315] {strides = array<i32>} : memref<3x64x16xf32, #tpu.memory_space<vmem>>, vector<1x1x16xf32>,
      %swap3A_317 = vector.shape_cast %swap3A_316 : vector<1x1x16xf32> to vector<16xf32>
      %swap3A_318 = vector.shape_cast %scan3A_296#2 : vector<16xf32> to vector<1x1x16xf32>
      tpu.vector_store %arg9[%swap3A_313, %swap3A_314, %swap3A_315], %swap3A_318 {strides = array<i32>} : memref<3x64x16xf32, #tpu.memory_space<vmem>>, vector<1x1x16xf32>,
      %add3A_319 = arith.constant 4 : i32
      %add3A_320 = arith.addi %add3A_233, %add3A_319 : i32
      %lt3A_321 = arith.constant 64 : i32
      %lt3A_322 = arith.cmpi slt, %add3A_320, %lt3A_321 : i32
      %convert_element_type3A_323 = arith.extui %lt3A_322 : i1 to i32
      %cond3A_324 = arith.constant 0 : i32
      %cond3A_325 = arith.cmpi ne, %convert_element_type3A_323, %cond3A_324 : i32
      scf.if %cond3A_325 {
        %add3A_514 = arith.constant 4 : i32
        %add3A_515 = arith.addi %add3A_233, %add3A_514 : i32
        %jit3A_516 = arith.constant 32 : i32
        %div3A_517 = arith.divsi %add3A_515, %jit3A_516 : i32
        %sign3A_518 = arith.constant 0 : i32
        %sign3A_519 = arith.cmpi sgt, %add3A_515, %sign3A_518 : i32
        %sign3A_520 = arith.extui %sign3A_519 : i1 to i32
        %sign3A_521 = arith.constant 0 : i32
        %sign3A_522 = arith.cmpi slt, %add3A_515, %sign3A_521 : i32
        %sign3A_523 = arith.extui %sign3A_522 : i1 to i32
        %sign3A_524 = arith.subi %sign3A_520, %sign3A_523 : i32
        %sign3A_525 = arith.constant 0 : i32
        %sign3A_526 = arith.cmpi sgt, %jit3A_516, %sign3A_525 : i32
        %sign3A_527 = arith.extui %sign3A_526 : i1 to i32
        %sign3A_528 = arith.constant 0 : i32
        %sign3A_529 = arith.cmpi slt, %jit3A_516, %sign3A_528 : i32
        %sign3A_530 = arith.extui %sign3A_529 : i1 to i32
        %sign3A_531 = arith.subi %sign3A_527, %sign3A_530 : i32
        %ne3A_532 = arith.cmpi ne, %sign3A_524, %sign3A_531 : i32
        %rem3A_533 = arith.remsi %add3A_515, %jit3A_516 : i32
        %ne3A_534 = arith.constant 0 : i32
        %ne3A_535 = arith.cmpi ne, %rem3A_533, %ne3A_534 : i32
        %and3A_536 = arith.andi %ne3A_532, %ne3A_535 : i1
        %sub3A_537 = arith.constant 1 : i32
        %sub3A_538 = arith.subi %div3A_517, %sub3A_537 : i32
        %select_n3A_539 = arith.select %and3A_536, %sub3A_538, %div3A_517 : i32
        %rem3A_540 = arith.constant 32 : i32
        %rem3A_541 = arith.remsi %add3A_515, %rem3A_540 : i32
        %dma_start3A_542 = arith.constant 1 : i32
        %dma_start3A_543 = arith.constant 1 : i32
        %dma_start3A_544 = arith.constant 0 : i32
        %dma_start3A_545 = arith.constant 0 : i32
        %dma_start3A_546 = tpu.memref_slice %arg7[%dma_start3A_542, %dma_start3A_544, %dma_start3A_545] : memref<4x1x8192xf32, #tpu.memory_space<vmem>> -> memref<1x1x8192xf32, #tpu.memory_space<vmem>>
        %dma_start3A_547 = tpu.memref_squeeze %dma_start3A_546 : memref<1x1x8192xf32, #tpu.memory_space<vmem>> -> memref<1x8192xf32, #tpu.memory_space<vmem>>
        %dma_start3A_548 = tpu.memref_slice %arg6[%select_n3A_539, %rem3A_541] : memref<2x32xi32, #tpu.memory_space<vmem>> -> memref<1x1xi32, #tpu.memory_space<vmem>>
        %dma_start3A_549 = tpu.memref_squeeze %dma_start3A_548 : memref<1x1xi32, #tpu.memory_space<vmem>> -> memref<1xi32, #tpu.memory_space<vmem>>
        %dma_start3A_550 = arith.constant 0 : i32
        %dma_start3A_551 = arith.constant 0 : i32
        %dma_start3A_552 = tpu.memref_slice %arg3[%dma_start3A_550, %dma_start3A_551] : memref<8192x8192xf32, #tpu.memory_space<hbm>> -> memref<8192x8192xf32, #tpu.memory_space<hbm>>
        %dma_start3A_553 = tpu.memref_slice %arg10[%dma_start3A_543] : memref<4x!tpu.dma_semaphore, #tpu.memory_space<semaphore_mem>> -> memref<1x!tpu.dma_semaphore, #tpu.memory_space<semaphore_mem>>
        %dma_start3A_554 = tpu.memref_squeeze %dma_start3A_553 : memref<1x!tpu.dma_semaphore, #tpu.memory_space<semaphore_mem>> -> memref<!tpu.dma_semaphore, #tpu.memory_space<semaphore_mem>>
        tpu.enqueue_indirect_dma source(%dma_start3A_552 : memref<8192x8192xf32, #tpu.memory_space<hbm>>) target(%dma_start3A_547 : memref<1x8192xf32, #tpu.memory_space<vmem>>) offsets(%dma_start3A_549 : memref<1xi32, #tpu.memory_space<vmem>>) semaphore(%dma_start3A_554 : memref<!tpu.dma_semaphore, #tpu.memory_space<semaphore_mem>>)
        %add3A_555 = arith.addi %mul3A_2, %add3A_515 : i32
        %dma_start3A_556 = arith.constant 1 : i32
        %dma_start3A_557 = arith.constant 1 : i32
        %dma_start3A_558 = arith.constant 0 : i32
        %dma_start3A_559 = arith.constant 0 : i32
        %dma_start3A_560 = tpu.memref_slice %arg8[%dma_start3A_556, %dma_start3A_558, %dma_start3A_559] : memref<4x1x8192xf32, #tpu.memory_space<vmem>> -> memref<1x1x8192xf32, #tpu.memory_space<vmem>>
        %dma_start3A_561 = tpu.memref_squeeze %dma_start3A_560 : memref<1x1x8192xf32, #tpu.memory_space<vmem>> -> memref<1x8192xf32, #tpu.memory_space<vmem>>
        %dma_start3A_562 = arith.constant 0 : i32
        %dma_start3A_563 = tpu.memref_slice %arg2[%add3A_555, %dma_start3A_562] : memref<2048x8192xf32, #tpu.memory_space<hbm>> -> memref<1x8192xf32, #tpu.memory_space<hbm>>
        %dma_start3A_564 = tpu.memref_slice %arg11[%dma_start3A_557] : memref<4x!tpu.dma_semaphore, #tpu.memory_space<semaphore_mem>> -> memref<1x!tpu.dma_semaphore, #tpu.memory_space<semaphore_mem>>
        %dma_start3A_565 = tpu.memref_squeeze %dma_start3A_564 : memref<1x!tpu.dma_semaphore, #tpu.memory_space<semaphore_mem>> -> memref<!tpu.dma_semaphore, #tpu.memory_space<semaphore_mem>>
        %dma_start3A_566 = arith.constant 0 : i32
        %dma_start3A_567 = arith.constant 0 : i32
        %dma_start3A_568 = tpu.memref_slice %arg8[%dma_start3A_556, %dma_start3A_566, %dma_start3A_567] : memref<4x1x8192xf32, #tpu.memory_space<vmem>> -> memref<1x1x8192xf32, #tpu.memory_space<vmem>>
        %dma_start3A_569 = tpu.memref_squeeze %dma_start3A_568 : memref<1x1x8192xf32, #tpu.memory_space<vmem>> -> memref<1x8192xf32, #tpu.memory_space<vmem>>
        %dma_start3A_570 = arith.constant 0 : i32
        %dma_start3A_571 = tpu.memref_slice %arg2[%add3A_555, %dma_start3A_570] : memref<2048x8192xf32, #tpu.memory_space<hbm>> -> memref<1x8192xf32, #tpu.memory_space<hbm>>
        tpu.enqueue_dma source(%dma_start3A_571 : memref<1x8192xf32, #tpu.memory_space<hbm>>) target(%dma_start3A_569 : memref<1x8192xf32, #tpu.memory_space<vmem>>) target_semaphore(%dma_start3A_565 : memref<!tpu.dma_semaphore, #tpu.memory_space<semaphore_mem>>)
      } else {
      }
      %add3A_326 = arith.constant 2 : i32
      %add3A_327 = arith.addi %mul3A_150, %add3A_326 : i32
      %jit3A_328 = arith.constant 32 : i32
      %div3A_329 = arith.divsi %add3A_327, %jit3A_328 : i32
      %sign3A_330 = arith.constant 0 : i32
      %sign3A_331 = arith.cmpi sgt, %add3A_327, %sign3A_330 : i32
      %sign3A_332 = arith.extui %sign3A_331 : i1 to i32
      %sign3A_333 = arith.constant 0 : i32
      %sign3A_334 = arith.cmpi slt, %add3A_327, %sign3A_333 : i32
      %sign3A_335 = arith.extui %sign3A_334 : i1 to i32
      %sign3A_336 = arith.subi %sign3A_332, %sign3A_335 : i32
      %sign3A_337 = arith.constant 0 : i32
      %sign3A_338 = arith.cmpi sgt, %jit3A_328, %sign3A_337 : i32
      %sign3A_339 = arith.extui %sign3A_338 : i1 to i32
      %sign3A_340 = arith.constant 0 : i32
      %sign3A_341 = arith.cmpi slt, %jit3A_328, %sign3A_340 : i32
      %sign3A_342 = arith.extui %sign3A_341 : i1 to i32
      %sign3A_343 = arith.subi %sign3A_339, %sign3A_342 : i32
      %ne3A_344 = arith.cmpi ne, %sign3A_336, %sign3A_343 : i32
      %rem3A_345 = arith.remsi %add3A_327, %jit3A_328 : i32
      %ne3A_346 = arith.constant 0 : i32
      %ne3A_347 = arith.cmpi ne, %rem3A_345, %ne3A_346 : i32
      %and3A_348 = arith.andi %ne3A_344, %ne3A_347 : i1
      %sub3A_349 = arith.constant 1 : i32
      %sub3A_350 = arith.subi %div3A_329, %sub3A_349 : i32
      %select_n3A_351 = arith.select %and3A_348, %sub3A_350, %div3A_329 : i32
      %rem3A_352 = arith.constant 32 : i32
      %rem3A_353 = arith.remsi %add3A_327, %rem3A_352 : i32
      %dma_wait3A_354 = arith.constant 2 : i32
      %dma_wait3A_355 = arith.constant 2 : i32
      %dma_wait3A_356 = arith.constant 0 : i32
      %dma_wait3A_357 = arith.constant 0 : i32
      %dma_wait3A_358 = tpu.memref_slice %arg7[%dma_wait3A_354, %dma_wait3A_356, %dma_wait3A_357] : memref<4x1x8192xf32, #tpu.memory_space<vmem>> -> memref<1x1x8192xf32, #tpu.memory_space<vmem>>
      %dma_wait3A_359 = tpu.memref_squeeze %dma_wait3A_358 : memref<1x1x8192xf32, #tpu.memory_space<vmem>> -> memref<1x8192xf32, #tpu.memory_space<vmem>>
      %dma_wait3A_360 = tpu.memref_slice %arg6[%select_n3A_351, %rem3A_353] : memref<2x32xi32, #tpu.memory_space<vmem>> -> memref<1x1xi32, #tpu.memory_space<vmem>>
      %dma_wait3A_361 = tpu.memref_squeeze %dma_wait3A_360 : memref<1x1xi32, #tpu.memory_space<vmem>> -> memref<1xi32, #tpu.memory_space<vmem>>
      %dma_wait3A_362 = arith.constant 0 : i32
      %dma_wait3A_363 = arith.constant 0 : i32
      %dma_wait3A_364 = tpu.memref_slice %arg3[%dma_wait3A_362, %dma_wait3A_363] : memref<8192x8192xf32, #tpu.memory_space<hbm>> -> memref<8192x8192xf32, #tpu.memory_space<hbm>>
      %dma_wait3A_365 = tpu.memref_slice %arg10[%dma_wait3A_355] : memref<4x!tpu.dma_semaphore, #tpu.memory_space<semaphore_mem>> -> memref<1x!tpu.dma_semaphore, #tpu.memory_space<semaphore_mem>>
      %dma_wait3A_366 = tpu.memref_squeeze %dma_wait3A_365 : memref<1x!tpu.dma_semaphore, #tpu.memory_space<semaphore_mem>> -> memref<!tpu.dma_semaphore, #tpu.memory_space<semaphore_mem>>
      tpu.wait_indirect_dma semaphore(%dma_wait3A_366 : memref<!tpu.dma_semaphore, #tpu.memory_space<semaphore_mem>>) src(%dma_wait3A_364 : memref<8192x8192xf32, #tpu.memory_space<hbm>>) dst(%dma_wait3A_359 : memref<1x8192xf32, #tpu.memory_space<vmem>>)
      %add3A_367 = arith.addi %mul3A_2, %add3A_327 : i32
      %dma_wait3A_368 = arith.constant 2 : i32
      %dma_wait3A_369 = arith.constant 2 : i32
      %dma_wait3A_370 = arith.constant 0 : i32
      %dma_wait3A_371 = arith.constant 0 : i32
      %dma_wait3A_372 = tpu.memref_slice %arg8[%dma_wait3A_368, %dma_wait3A_370, %dma_wait3A_371] : memref<4x1x8192xf32, #tpu.memory_space<vmem>> -> memref<1x1x8192xf32, #tpu.memory_space<vmem>>
      %dma_wait3A_373 = tpu.memref_squeeze %dma_wait3A_372 : memref<1x1x8192xf32, #tpu.memory_space<vmem>> -> memref<1x8192xf32, #tpu.memory_space<vmem>>
      %dma_wait3A_374 = arith.constant 0 : i32
      %dma_wait3A_375 = tpu.memref_slice %arg2[%add3A_367, %dma_wait3A_374] : memref<2048x8192xf32, #tpu.memory_space<hbm>> -> memref<1x8192xf32, #tpu.memory_space<hbm>>
      %dma_wait3A_376 = tpu.memref_slice %arg11[%dma_wait3A_369] : memref<4x!tpu.dma_semaphore, #tpu.memory_space<semaphore_mem>> -> memref<1x!tpu.dma_semaphore, #tpu.memory_space<semaphore_mem>>
      %dma_wait3A_377 = tpu.memref_squeeze %dma_wait3A_376 : memref<1x!tpu.dma_semaphore, #tpu.memory_space<semaphore_mem>> -> memref<!tpu.dma_semaphore, #tpu.memory_space<semaphore_mem>>
      %dma_wait3A_378 = arith.constant 0 : i32
      %dma_wait3A_379 = arith.constant 0 : i32
      %dma_wait3A_380 = tpu.memref_slice %arg8[%dma_wait3A_368, %dma_wait3A_378, %dma_wait3A_379] : memref<4x1x8192xf32, #tpu.memory_space<vmem>> -> memref<1x1x8192xf32, #tpu.memory_space<vmem>>
      %dma_wait3A_381 = tpu.memref_squeeze %dma_wait3A_380 : memref<1x1x8192xf32, #tpu.memory_space<vmem>> -> memref<1x8192xf32, #tpu.memory_space<vmem>>
      %dma_wait3A_382 = arith.constant 0 : i32
      %dma_wait3A_383 = tpu.memref_slice %arg2[%add3A_367, %dma_wait3A_382] : memref<2048x8192xf32, #tpu.memory_space<hbm>> -> memref<1x8192xf32, #tpu.memory_space<hbm>>
      tpu.wait_dma2 semaphore(%dma_wait3A_377 : memref<!tpu.dma_semaphore, #tpu.memory_space<semaphore_mem>>) src(%dma_wait3A_383 : memref<1x8192xf32, #tpu.memory_space<hbm>>) dst(%dma_wait3A_381 : memref<1x8192xf32, #tpu.memory_space<vmem>>)
      %broadcast_in_dim3A_384 = arith.constant 0.000000e+00 : f32
      %broadcast_in_dim3A_385 = vector.broadcast %broadcast_in_dim3A_384 : f32 to vector<16xf32>
      %scan3A_386 = arith.constant 0 : i32
      %scan3A_387 = arith.constant 512 : i32
      %scan3A_388 = arith.addi %scan3A_386, %scan3A_387 : i32
      %scan3A_389 = arith.constant 8 : i32
      %scan3A_390:3 = scf.for %scan3A_514 = %scan3A_386 to %scan3A_388 step %scan3A_389 iter_args(%scan3A_515 = %broadcast_in_dim3A_385, %scan3A_516 = %broadcast_in_dim3A_385, %scan3A_517 = %broadcast_in_dim3A_385) -> (vector<16xf32>, vector<16xf32>, vector<16xf32>)  : i32 {
        %mul3A_518 = arith.constant 16 : i32
        %mul3A_519 = arith.muli %scan3A_514, %mul3A_518 : i32
        %get3A = arith.constant 2 : i32
        %get3A_520 = arith.constant 0 : i32
        %get3A_521 = arith.index_cast %get3A : i32 to index
        %get3A_522 = arith.index_cast %get3A_520 : i32 to index
        %get3A_523 = arith.index_cast %mul3A_519 : i32 to index
        %get3A_524 = tpu.vector_load %arg8[%get3A_521, %get3A_522, %get3A_523] {strides = array<i32>} : memref<4x1x8192xf32, #tpu.memory_space<vmem>>, vector<1x1x16xf32>,
        %get3A_525 = vector.shape_cast %get3A_524 : vector<1x1x16xf32> to vector<16xf32>
        %get3A_526 = arith.constant 2 : i32
        %get3A_527 = arith.constant 0 : i32
        %get3A_528 = arith.index_cast %get3A_526 : i32 to index
        %get3A_529 = arith.index_cast %get3A_527 : i32 to index
        %get3A_530 = arith.index_cast %mul3A_519 : i32 to index
        %get3A_531 = tpu.vector_load %arg7[%get3A_528, %get3A_529, %get3A_530] {strides = array<i32>} : memref<4x1x8192xf32, #tpu.memory_space<vmem>>, vector<1x1x16xf32>,
        %get3A_532 = vector.shape_cast %get3A_531 : vector<1x1x16xf32> to vector<16xf32>
        %mul3A_533 = arith.mulf %get3A_525, %get3A_532 : vector<16xf32>
        %add3A_534 = arith.addf %scan3A_515, %mul3A_533 : vector<16xf32>
        %mul3A_535 = arith.mulf %get3A_525, %get3A_525 : vector<16xf32>
        %add3A_536 = arith.addf %scan3A_516, %mul3A_535 : vector<16xf32>
        %mul3A_537 = arith.mulf %get3A_532, %get3A_532 : vector<16xf32>
        %add3A_538 = arith.addf %scan3A_517, %mul3A_537 : vector<16xf32>
        %scan3A_539 = arith.constant 1 : i32
        %scan3A_540 = arith.addi %scan3A_514, %scan3A_539 : i32
        %mul3A_541 = arith.constant 16 : i32
        %mul3A_542 = arith.muli %scan3A_540, %mul3A_541 : i32
        %get3A_543 = arith.constant 2 : i32
        %get3A_544 = arith.constant 0 : i32
        %get3A_545 = arith.index_cast %get3A_543 : i32 to index
        %get3A_546 = arith.index_cast %get3A_544 : i32 to index
        %get3A_547 = arith.index_cast %mul3A_542 : i32 to index
        %get3A_548 = tpu.vector_load %arg8[%get3A_545, %get3A_546, %get3A_547] {strides = array<i32>} : memref<4x1x8192xf32, #tpu.memory_space<vmem>>, vector<1x1x16xf32>,
        %get3A_549 = vector.shape_cast %get3A_548 : vector<1x1x16xf32> to vector<16xf32>
        %get3A_550 = arith.constant 2 : i32
        %get3A_551 = arith.constant 0 : i32
        %get3A_552 = arith.index_cast %get3A_550 : i32 to index
        %get3A_553 = arith.index_cast %get3A_551 : i32 to index
        %get3A_554 = arith.index_cast %mul3A_542 : i32 to index
        %get3A_555 = tpu.vector_load %arg7[%get3A_552, %get3A_553, %get3A_554] {strides = array<i32>} : memref<4x1x8192xf32, #tpu.memory_space<vmem>>, vector<1x1x16xf32>,
        %get3A_556 = vector.shape_cast %get3A_555 : vector<1x1x16xf32> to vector<16xf32>
        %mul3A_557 = arith.mulf %get3A_549, %get3A_556 : vector<16xf32>
        %add3A_558 = arith.addf %add3A_534, %mul3A_557 : vector<16xf32>
        %mul3A_559 = arith.mulf %get3A_549, %get3A_549 : vector<16xf32>
        %add3A_560 = arith.addf %add3A_536, %mul3A_559 : vector<16xf32>
        %mul3A_561 = arith.mulf %get3A_556, %get3A_556 : vector<16xf32>
        %add3A_562 = arith.addf %add3A_538, %mul3A_561 : vector<16xf32>
        %scan3A_563 = arith.constant 2 : i32
        %scan3A_564 = arith.addi %scan3A_514, %scan3A_563 : i32
        %mul3A_565 = arith.constant 16 : i32
        %mul3A_566 = arith.muli %scan3A_564, %mul3A_565 : i32
        %get3A_567 = arith.constant 2 : i32
        %get3A_568 = arith.constant 0 : i32
        %get3A_569 = arith.index_cast %get3A_567 : i32 to index
        %get3A_570 = arith.index_cast %get3A_568 : i32 to index
        %get3A_571 = arith.index_cast %mul3A_566 : i32 to index
        %get3A_572 = tpu.vector_load %arg8[%get3A_569, %get3A_570, %get3A_571] {strides = array<i32>} : memref<4x1x8192xf32, #tpu.memory_space<vmem>>, vector<1x1x16xf32>,
        %get3A_573 = vector.shape_cast %get3A_572 : vector<1x1x16xf32> to vector<16xf32>
        %get3A_574 = arith.constant 2 : i32
        %get3A_575 = arith.constant 0 : i32
        %get3A_576 = arith.index_cast %get3A_574 : i32 to index
        %get3A_577 = arith.index_cast %get3A_575 : i32 to index
        %get3A_578 = arith.index_cast %mul3A_566 : i32 to index
        %get3A_579 = tpu.vector_load %arg7[%get3A_576, %get3A_577, %get3A_578] {strides = array<i32>} : memref<4x1x8192xf32, #tpu.memory_space<vmem>>, vector<1x1x16xf32>,
        %get3A_580 = vector.shape_cast %get3A_579 : vector<1x1x16xf32> to vector<16xf32>
        %mul3A_581 = arith.mulf %get3A_573, %get3A_580 : vector<16xf32>
        %add3A_582 = arith.addf %add3A_558, %mul3A_581 : vector<16xf32>
        %mul3A_583 = arith.mulf %get3A_573, %get3A_573 : vector<16xf32>
        %add3A_584 = arith.addf %add3A_560, %mul3A_583 : vector<16xf32>
        %mul3A_585 = arith.mulf %get3A_580, %get3A_580 : vector<16xf32>
        %add3A_586 = arith.addf %add3A_562, %mul3A_585 : vector<16xf32>
        %scan3A_587 = arith.constant 3 : i32
        %scan3A_588 = arith.addi %scan3A_514, %scan3A_587 : i32
        %mul3A_589 = arith.constant 16 : i32
        %mul3A_590 = arith.muli %scan3A_588, %mul3A_589 : i32
        %get3A_591 = arith.constant 2 : i32
        %get3A_592 = arith.constant 0 : i32
        %get3A_593 = arith.index_cast %get3A_591 : i32 to index
        %get3A_594 = arith.index_cast %get3A_592 : i32 to index
        %get3A_595 = arith.index_cast %mul3A_590 : i32 to index
        %get3A_596 = tpu.vector_load %arg8[%get3A_593, %get3A_594, %get3A_595] {strides = array<i32>} : memref<4x1x8192xf32, #tpu.memory_space<vmem>>, vector<1x1x16xf32>,
        %get3A_597 = vector.shape_cast %get3A_596 : vector<1x1x16xf32> to vector<16xf32>
        %get3A_598 = arith.constant 2 : i32
        %get3A_599 = arith.constant 0 : i32
        %get3A_600 = arith.index_cast %get3A_598 : i32 to index
        %get3A_601 = arith.index_cast %get3A_599 : i32 to index
        %get3A_602 = arith.index_cast %mul3A_590 : i32 to index
        %get3A_603 = tpu.vector_load %arg7[%get3A_600, %get3A_601, %get3A_602] {strides = array<i32>} : memref<4x1x8192xf32, #tpu.memory_space<vmem>>, vector<1x1x16xf32>,
        %get3A_604 = vector.shape_cast %get3A_603 : vector<1x1x16xf32> to vector<16xf32>
        %mul3A_605 = arith.mulf %get3A_597, %get3A_604 : vector<16xf32>
        %add3A_606 = arith.addf %add3A_582, %mul3A_605 : vector<16xf32>
        %mul3A_607 = arith.mulf %get3A_597, %get3A_597 : vector<16xf32>
        %add3A_608 = arith.addf %add3A_584, %mul3A_607 : vector<16xf32>
        %mul3A_609 = arith.mulf %get3A_604, %get3A_604 : vector<16xf32>
        %add3A_610 = arith.addf %add3A_586, %mul3A_609 : vector<16xf32>
        %scan3A_611 = arith.constant 4 : i32
        %scan3A_612 = arith.addi %scan3A_514, %scan3A_611 : i32
        %mul3A_613 = arith.constant 16 : i32
        %mul3A_614 = arith.muli %scan3A_612, %mul3A_613 : i32
        %get3A_615 = arith.constant 2 : i32
        %get3A_616 = arith.constant 0 : i32
        %get3A_617 = arith.index_cast %get3A_615 : i32 to index
        %get3A_618 = arith.index_cast %get3A_616 : i32 to index
        %get3A_619 = arith.index_cast %mul3A_614 : i32 to index
        %get3A_620 = tpu.vector_load %arg8[%get3A_617, %get3A_618, %get3A_619] {strides = array<i32>} : memref<4x1x8192xf32, #tpu.memory_space<vmem>>, vector<1x1x16xf32>,
        %get3A_621 = vector.shape_cast %get3A_620 : vector<1x1x16xf32> to vector<16xf32>
        %get3A_622 = arith.constant 2 : i32
        %get3A_623 = arith.constant 0 : i32
        %get3A_624 = arith.index_cast %get3A_622 : i32 to index
        %get3A_625 = arith.index_cast %get3A_623 : i32 to index
        %get3A_626 = arith.index_cast %mul3A_614 : i32 to index
        %get3A_627 = tpu.vector_load %arg7[%get3A_624, %get3A_625, %get3A_626] {strides = array<i32>} : memref<4x1x8192xf32, #tpu.memory_space<vmem>>, vector<1x1x16xf32>,
        %get3A_628 = vector.shape_cast %get3A_627 : vector<1x1x16xf32> to vector<16xf32>
        %mul3A_629 = arith.mulf %get3A_621, %get3A_628 : vector<16xf32>
        %add3A_630 = arith.addf %add3A_606, %mul3A_629 : vector<16xf32>
        %mul3A_631 = arith.mulf %get3A_621, %get3A_621 : vector<16xf32>
        %add3A_632 = arith.addf %add3A_608, %mul3A_631 : vector<16xf32>
        %mul3A_633 = arith.mulf %get3A_628, %get3A_628 : vector<16xf32>
        %add3A_634 = arith.addf %add3A_610, %mul3A_633 : vector<16xf32>
        %scan3A_635 = arith.constant 5 : i32
        %scan3A_636 = arith.addi %scan3A_514, %scan3A_635 : i32
        %mul3A_637 = arith.constant 16 : i32
        %mul3A_638 = arith.muli %scan3A_636, %mul3A_637 : i32
        %get3A_639 = arith.constant 2 : i32
        %get3A_640 = arith.constant 0 : i32
        %get3A_641 = arith.index_cast %get3A_639 : i32 to index
        %get3A_642 = arith.index_cast %get3A_640 : i32 to index
        %get3A_643 = arith.index_cast %mul3A_638 : i32 to index
        %get3A_644 = tpu.vector_load %arg8[%get3A_641, %get3A_642, %get3A_643] {strides = array<i32>} : memref<4x1x8192xf32, #tpu.memory_space<vmem>>, vector<1x1x16xf32>,
        %get3A_645 = vector.shape_cast %get3A_644 : vector<1x1x16xf32> to vector<16xf32>
        %get3A_646 = arith.constant 2 : i32
        %get3A_647 = arith.constant 0 : i32
        %get3A_648 = arith.index_cast %get3A_646 : i32 to index
        %get3A_649 = arith.index_cast %get3A_647 : i32 to index
        %get3A_650 = arith.index_cast %mul3A_638 : i32 to index
        %get3A_651 = tpu.vector_load %arg7[%get3A_648, %get3A_649, %get3A_650] {strides = array<i32>} : memref<4x1x8192xf32, #tpu.memory_space<vmem>>, vector<1x1x16xf32>,
        %get3A_652 = vector.shape_cast %get3A_651 : vector<1x1x16xf32> to vector<16xf32>
        %mul3A_653 = arith.mulf %get3A_645, %get3A_652 : vector<16xf32>
        %add3A_654 = arith.addf %add3A_630, %mul3A_653 : vector<16xf32>
        %mul3A_655 = arith.mulf %get3A_645, %get3A_645 : vector<16xf32>
        %add3A_656 = arith.addf %add3A_632, %mul3A_655 : vector<16xf32>
        %mul3A_657 = arith.mulf %get3A_652, %get3A_652 : vector<16xf32>
        %add3A_658 = arith.addf %add3A_634, %mul3A_657 : vector<16xf32>
        %scan3A_659 = arith.constant 6 : i32
        %scan3A_660 = arith.addi %scan3A_514, %scan3A_659 : i32
        %mul3A_661 = arith.constant 16 : i32
        %mul3A_662 = arith.muli %scan3A_660, %mul3A_661 : i32
        %get3A_663 = arith.constant 2 : i32
        %get3A_664 = arith.constant 0 : i32
        %get3A_665 = arith.index_cast %get3A_663 : i32 to index
        %get3A_666 = arith.index_cast %get3A_664 : i32 to index
        %get3A_667 = arith.index_cast %mul3A_662 : i32 to index
        %get3A_668 = tpu.vector_load %arg8[%get3A_665, %get3A_666, %get3A_667] {strides = array<i32>} : memref<4x1x8192xf32, #tpu.memory_space<vmem>>, vector<1x1x16xf32>,
        %get3A_669 = vector.shape_cast %get3A_668 : vector<1x1x16xf32> to vector<16xf32>
        %get3A_670 = arith.constant 2 : i32
        %get3A_671 = arith.constant 0 : i32
        %get3A_672 = arith.index_cast %get3A_670 : i32 to index
        %get3A_673 = arith.index_cast %get3A_671 : i32 to index
        %get3A_674 = arith.index_cast %mul3A_662 : i32 to index
        %get3A_675 = tpu.vector_load %arg7[%get3A_672, %get3A_673, %get3A_674] {strides = array<i32>} : memref<4x1x8192xf32, #tpu.memory_space<vmem>>, vector<1x1x16xf32>,
        %get3A_676 = vector.shape_cast %get3A_675 : vector<1x1x16xf32> to vector<16xf32>
        %mul3A_677 = arith.mulf %get3A_669, %get3A_676 : vector<16xf32>
        %add3A_678 = arith.addf %add3A_654, %mul3A_677 : vector<16xf32>
        %mul3A_679 = arith.mulf %get3A_669, %get3A_669 : vector<16xf32>
        %add3A_680 = arith.addf %add3A_656, %mul3A_679 : vector<16xf32>
        %mul3A_681 = arith.mulf %get3A_676, %get3A_676 : vector<16xf32>
        %add3A_682 = arith.addf %add3A_658, %mul3A_681 : vector<16xf32>
        %scan3A_683 = arith.constant 7 : i32
        %scan3A_684 = arith.addi %scan3A_514, %scan3A_683 : i32
        %mul3A_685 = arith.constant 16 : i32
        %mul3A_686 = arith.muli %scan3A_684, %mul3A_685 : i32
        %get3A_687 = arith.constant 2 : i32
        %get3A_688 = arith.constant 0 : i32
        %get3A_689 = arith.index_cast %get3A_687 : i32 to index
        %get3A_690 = arith.index_cast %get3A_688 : i32 to index
        %get3A_691 = arith.index_cast %mul3A_686 : i32 to index
        %get3A_692 = tpu.vector_load %arg8[%get3A_689, %get3A_690, %get3A_691] {strides = array<i32>} : memref<4x1x8192xf32, #tpu.memory_space<vmem>>, vector<1x1x16xf32>,
        %get3A_693 = vector.shape_cast %get3A_692 : vector<1x1x16xf32> to vector<16xf32>
        %get3A_694 = arith.constant 2 : i32
        %get3A_695 = arith.constant 0 : i32
        %get3A_696 = arith.index_cast %get3A_694 : i32 to index
        %get3A_697 = arith.index_cast %get3A_695 : i32 to index
        %get3A_698 = arith.index_cast %mul3A_686 : i32 to index
        %get3A_699 = tpu.vector_load %arg7[%get3A_696, %get3A_697, %get3A_698] {strides = array<i32>} : memref<4x1x8192xf32, #tpu.memory_space<vmem>>, vector<1x1x16xf32>,
        %get3A_700 = vector.shape_cast %get3A_699 : vector<1x1x16xf32> to vector<16xf32>
        %mul3A_701 = arith.mulf %get3A_693, %get3A_700 : vector<16xf32>
        %add3A_702 = arith.addf %add3A_678, %mul3A_701 : vector<16xf32>
        %mul3A_703 = arith.mulf %get3A_693, %get3A_693 : vector<16xf32>
        %add3A_704 = arith.addf %add3A_680, %mul3A_703 : vector<16xf32>
        %mul3A_705 = arith.mulf %get3A_700, %get3A_700 : vector<16xf32>
        %add3A_706 = arith.addf %add3A_682, %mul3A_705 : vector<16xf32>
        scf.yield %add3A_702, %add3A_704, %add3A_706 : vector<16xf32>, vector<16xf32>, vector<16xf32>
      }
      %scan3A_391 = arith.constant 512 : i32
      %swap3A_392 = arith.constant 0 : i32
      %swap3A_393 = arith.index_cast %swap3A_392 : i32 to index
      %swap3A_394 = arith.index_cast %add3A_327 : i32 to index
      %swap3A_395 = arith.constant 0 : index
      %swap3A_396 = tpu.vector_load %arg9[%swap3A_393, %swap3A_394, %swap3A_395] {strides = array<i32>} : memref<3x64x16xf32, #tpu.memory_space<vmem>>, vector<1x1x16xf32>,
      %swap3A_397 = vector.shape_cast %swap3A_396 : vector<1x1x16xf32> to vector<16xf32>
      %swap3A_398 = vector.shape_cast %scan3A_390#0 : vector<16xf32> to vector<1x1x16xf32>
      tpu.vector_store %arg9[%swap3A_393, %swap3A_394, %swap3A_395], %swap3A_398 {strides = array<i32>} : memref<3x64x16xf32, #tpu.memory_space<vmem>>, vector<1x1x16xf32>,
      %swap3A_399 = arith.constant 1 : i32
      %swap3A_400 = arith.index_cast %swap3A_399 : i32 to index
      %swap3A_401 = arith.index_cast %add3A_327 : i32 to index
      %swap3A_402 = arith.constant 0 : index
      %swap3A_403 = tpu.vector_load %arg9[%swap3A_400, %swap3A_401, %swap3A_402] {strides = array<i32>} : memref<3x64x16xf32, #tpu.memory_space<vmem>>, vector<1x1x16xf32>,
      %swap3A_404 = vector.shape_cast %swap3A_403 : vector<1x1x16xf32> to vector<16xf32>
      %swap3A_405 = vector.shape_cast %scan3A_390#1 : vector<16xf32> to vector<1x1x16xf32>
      tpu.vector_store %arg9[%swap3A_400, %swap3A_401, %swap3A_402], %swap3A_405 {strides = array<i32>} : memref<3x64x16xf32, #tpu.memory_space<vmem>>, vector<1x1x16xf32>,
      %swap3A_406 = arith.constant 2 : i32
      %swap3A_407 = arith.index_cast %swap3A_406 : i32 to index
      %swap3A_408 = arith.index_cast %add3A_327 : i32 to index
      %swap3A_409 = arith.constant 0 : index
      %swap3A_410 = tpu.vector_load %arg9[%swap3A_407, %swap3A_408, %swap3A_409] {strides = array<i32>} : memref<3x64x16xf32, #tpu.memory_space<vmem>>, vector<1x1x16xf32>,
      %swap3A_411 = vector.shape_cast %swap3A_410 : vector<1x1x16xf32> to vector<16xf32>
      %swap3A_412 = vector.shape_cast %scan3A_390#2 : vector<16xf32> to vector<1x1x16xf32>
      tpu.vector_store %arg9[%swap3A_407, %swap3A_408, %swap3A_409], %swap3A_412 {strides = array<i32>} : memref<3x64x16xf32, #tpu.memory_space<vmem>>, vector<1x1x16xf32>,
      %add3A_413 = arith.constant 4 : i32
      %add3A_414 = arith.addi %add3A_327, %add3A_413 : i32
      %lt3A_415 = arith.constant 64 : i32
      %lt3A_416 = arith.cmpi slt, %add3A_414, %lt3A_415 : i32
      %convert_element_type3A_417 = arith.extui %lt3A_416 : i1 to i32
      %cond3A_418 = arith.constant 0 : i32
      %cond3A_419 = arith.cmpi ne, %convert_element_type3A_417, %cond3A_418 : i32
      scf.if %cond3A_419 {
        %add3A_514 = arith.constant 4 : i32
        %add3A_515 = arith.addi %add3A_327, %add3A_514 : i32
        %jit3A_516 = arith.constant 32 : i32
        %div3A_517 = arith.divsi %add3A_515, %jit3A_516 : i32
        %sign3A_518 = arith.constant 0 : i32
        %sign3A_519 = arith.cmpi sgt, %add3A_515, %sign3A_518 : i32
        %sign3A_520 = arith.extui %sign3A_519 : i1 to i32
        %sign3A_521 = arith.constant 0 : i32
        %sign3A_522 = arith.cmpi slt, %add3A_515, %sign3A_521 : i32
        %sign3A_523 = arith.extui %sign3A_522 : i1 to i32
        %sign3A_524 = arith.subi %sign3A_520, %sign3A_523 : i32
        %sign3A_525 = arith.constant 0 : i32
        %sign3A_526 = arith.cmpi sgt, %jit3A_516, %sign3A_525 : i32
        %sign3A_527 = arith.extui %sign3A_526 : i1 to i32
        %sign3A_528 = arith.constant 0 : i32
        %sign3A_529 = arith.cmpi slt, %jit3A_516, %sign3A_528 : i32
        %sign3A_530 = arith.extui %sign3A_529 : i1 to i32
        %sign3A_531 = arith.subi %sign3A_527, %sign3A_530 : i32
        %ne3A_532 = arith.cmpi ne, %sign3A_524, %sign3A_531 : i32
        %rem3A_533 = arith.remsi %add3A_515, %jit3A_516 : i32
        %ne3A_534 = arith.constant 0 : i32
        %ne3A_535 = arith.cmpi ne, %rem3A_533, %ne3A_534 : i32
        %and3A_536 = arith.andi %ne3A_532, %ne3A_535 : i1
        %sub3A_537 = arith.constant 1 : i32
        %sub3A_538 = arith.subi %div3A_517, %sub3A_537 : i32
        %select_n3A_539 = arith.select %and3A_536, %sub3A_538, %div3A_517 : i32
        %rem3A_540 = arith.constant 32 : i32
        %rem3A_541 = arith.remsi %add3A_515, %rem3A_540 : i32
        %dma_start3A_542 = arith.constant 2 : i32
        %dma_start3A_543 = arith.constant 2 : i32
        %dma_start3A_544 = arith.constant 0 : i32
        %dma_start3A_545 = arith.constant 0 : i32
        %dma_start3A_546 = tpu.memref_slice %arg7[%dma_start3A_542, %dma_start3A_544, %dma_start3A_545] : memref<4x1x8192xf32, #tpu.memory_space<vmem>> -> memref<1x1x8192xf32, #tpu.memory_space<vmem>>
        %dma_start3A_547 = tpu.memref_squeeze %dma_start3A_546 : memref<1x1x8192xf32, #tpu.memory_space<vmem>> -> memref<1x8192xf32, #tpu.memory_space<vmem>>
        %dma_start3A_548 = tpu.memref_slice %arg6[%select_n3A_539, %rem3A_541] : memref<2x32xi32, #tpu.memory_space<vmem>> -> memref<1x1xi32, #tpu.memory_space<vmem>>
        %dma_start3A_549 = tpu.memref_squeeze %dma_start3A_548 : memref<1x1xi32, #tpu.memory_space<vmem>> -> memref<1xi32, #tpu.memory_space<vmem>>
        %dma_start3A_550 = arith.constant 0 : i32
        %dma_start3A_551 = arith.constant 0 : i32
        %dma_start3A_552 = tpu.memref_slice %arg3[%dma_start3A_550, %dma_start3A_551] : memref<8192x8192xf32, #tpu.memory_space<hbm>> -> memref<8192x8192xf32, #tpu.memory_space<hbm>>
        %dma_start3A_553 = tpu.memref_slice %arg10[%dma_start3A_543] : memref<4x!tpu.dma_semaphore, #tpu.memory_space<semaphore_mem>> -> memref<1x!tpu.dma_semaphore, #tpu.memory_space<semaphore_mem>>
        %dma_start3A_554 = tpu.memref_squeeze %dma_start3A_553 : memref<1x!tpu.dma_semaphore, #tpu.memory_space<semaphore_mem>> -> memref<!tpu.dma_semaphore, #tpu.memory_space<semaphore_mem>>
        tpu.enqueue_indirect_dma source(%dma_start3A_552 : memref<8192x8192xf32, #tpu.memory_space<hbm>>) target(%dma_start3A_547 : memref<1x8192xf32, #tpu.memory_space<vmem>>) offsets(%dma_start3A_549 : memref<1xi32, #tpu.memory_space<vmem>>) semaphore(%dma_start3A_554 : memref<!tpu.dma_semaphore, #tpu.memory_space<semaphore_mem>>)
        %add3A_555 = arith.addi %mul3A_2, %add3A_515 : i32
        %dma_start3A_556 = arith.constant 2 : i32
        %dma_start3A_557 = arith.constant 2 : i32
        %dma_start3A_558 = arith.constant 0 : i32
        %dma_start3A_559 = arith.constant 0 : i32
        %dma_start3A_560 = tpu.memref_slice %arg8[%dma_start3A_556, %dma_start3A_558, %dma_start3A_559] : memref<4x1x8192xf32, #tpu.memory_space<vmem>> -> memref<1x1x8192xf32, #tpu.memory_space<vmem>>
        %dma_start3A_561 = tpu.memref_squeeze %dma_start3A_560 : memref<1x1x8192xf32, #tpu.memory_space<vmem>> -> memref<1x8192xf32, #tpu.memory_space<vmem>>
        %dma_start3A_562 = arith.constant 0 : i32
        %dma_start3A_563 = tpu.memref_slice %arg2[%add3A_555, %dma_start3A_562] : memref<2048x8192xf32, #tpu.memory_space<hbm>> -> memref<1x8192xf32, #tpu.memory_space<hbm>>
        %dma_start3A_564 = tpu.memref_slice %arg11[%dma_start3A_557] : memref<4x!tpu.dma_semaphore, #tpu.memory_space<semaphore_mem>> -> memref<1x!tpu.dma_semaphore, #tpu.memory_space<semaphore_mem>>
        %dma_start3A_565 = tpu.memref_squeeze %dma_start3A_564 : memref<1x!tpu.dma_semaphore, #tpu.memory_space<semaphore_mem>> -> memref<!tpu.dma_semaphore, #tpu.memory_space<semaphore_mem>>
        %dma_start3A_566 = arith.constant 0 : i32
        %dma_start3A_567 = arith.constant 0 : i32
        %dma_start3A_568 = tpu.memref_slice %arg8[%dma_start3A_556, %dma_start3A_566, %dma_start3A_567] : memref<4x1x8192xf32, #tpu.memory_space<vmem>> -> memref<1x1x8192xf32, #tpu.memory_space<vmem>>
        %dma_start3A_569 = tpu.memref_squeeze %dma_start3A_568 : memref<1x1x8192xf32, #tpu.memory_space<vmem>> -> memref<1x8192xf32, #tpu.memory_space<vmem>>
        %dma_start3A_570 = arith.constant 0 : i32
        %dma_start3A_571 = tpu.memref_slice %arg2[%add3A_555, %dma_start3A_570] : memref<2048x8192xf32, #tpu.memory_space<hbm>> -> memref<1x8192xf32, #tpu.memory_space<hbm>>
        tpu.enqueue_dma source(%dma_start3A_571 : memref<1x8192xf32, #tpu.memory_space<hbm>>) target(%dma_start3A_569 : memref<1x8192xf32, #tpu.memory_space<vmem>>) target_semaphore(%dma_start3A_565 : memref<!tpu.dma_semaphore, #tpu.memory_space<semaphore_mem>>)
      } else {
      }
      %add3A_420 = arith.constant 3 : i32
      %add3A_421 = arith.addi %mul3A_150, %add3A_420 : i32
      %jit3A_422 = arith.constant 32 : i32
      %div3A_423 = arith.divsi %add3A_421, %jit3A_422 : i32
      %sign3A_424 = arith.constant 0 : i32
      %sign3A_425 = arith.cmpi sgt, %add3A_421, %sign3A_424 : i32
      %sign3A_426 = arith.extui %sign3A_425 : i1 to i32
      %sign3A_427 = arith.constant 0 : i32
      %sign3A_428 = arith.cmpi slt, %add3A_421, %sign3A_427 : i32
      %sign3A_429 = arith.extui %sign3A_428 : i1 to i32
      %sign3A_430 = arith.subi %sign3A_426, %sign3A_429 : i32
      %sign3A_431 = arith.constant 0 : i32
      %sign3A_432 = arith.cmpi sgt, %jit3A_422, %sign3A_431 : i32
      %sign3A_433 = arith.extui %sign3A_432 : i1 to i32
      %sign3A_434 = arith.constant 0 : i32
      %sign3A_435 = arith.cmpi slt, %jit3A_422, %sign3A_434 : i32
      %sign3A_436 = arith.extui %sign3A_435 : i1 to i32
      %sign3A_437 = arith.subi %sign3A_433, %sign3A_436 : i32
      %ne3A_438 = arith.cmpi ne, %sign3A_430, %sign3A_437 : i32
      %rem3A_439 = arith.remsi %add3A_421, %jit3A_422 : i32
      %ne3A_440 = arith.constant 0 : i32
      %ne3A_441 = arith.cmpi ne, %rem3A_439, %ne3A_440 : i32
      %and3A_442 = arith.andi %ne3A_438, %ne3A_441 : i1
      %sub3A_443 = arith.constant 1 : i32
      %sub3A_444 = arith.subi %div3A_423, %sub3A_443 : i32
      %select_n3A_445 = arith.select %and3A_442, %sub3A_444, %div3A_423 : i32
      %rem3A_446 = arith.constant 32 : i32
      %rem3A_447 = arith.remsi %add3A_421, %rem3A_446 : i32
      %dma_wait3A_448 = arith.constant 3 : i32
      %dma_wait3A_449 = arith.constant 3 : i32
      %dma_wait3A_450 = arith.constant 0 : i32
      %dma_wait3A_451 = arith.constant 0 : i32
      %dma_wait3A_452 = tpu.memref_slice %arg7[%dma_wait3A_448, %dma_wait3A_450, %dma_wait3A_451] : memref<4x1x8192xf32, #tpu.memory_space<vmem>> -> memref<1x1x8192xf32, #tpu.memory_space<vmem>>
      %dma_wait3A_453 = tpu.memref_squeeze %dma_wait3A_452 : memref<1x1x8192xf32, #tpu.memory_space<vmem>> -> memref<1x8192xf32, #tpu.memory_space<vmem>>
      %dma_wait3A_454 = tpu.memref_slice %arg6[%select_n3A_445, %rem3A_447] : memref<2x32xi32, #tpu.memory_space<vmem>> -> memref<1x1xi32, #tpu.memory_space<vmem>>
      %dma_wait3A_455 = tpu.memref_squeeze %dma_wait3A_454 : memref<1x1xi32, #tpu.memory_space<vmem>> -> memref<1xi32, #tpu.memory_space<vmem>>
      %dma_wait3A_456 = arith.constant 0 : i32
      %dma_wait3A_457 = arith.constant 0 : i32
      %dma_wait3A_458 = tpu.memref_slice %arg3[%dma_wait3A_456, %dma_wait3A_457] : memref<8192x8192xf32, #tpu.memory_space<hbm>> -> memref<8192x8192xf32, #tpu.memory_space<hbm>>
      %dma_wait3A_459 = tpu.memref_slice %arg10[%dma_wait3A_449] : memref<4x!tpu.dma_semaphore, #tpu.memory_space<semaphore_mem>> -> memref<1x!tpu.dma_semaphore, #tpu.memory_space<semaphore_mem>>
      %dma_wait3A_460 = tpu.memref_squeeze %dma_wait3A_459 : memref<1x!tpu.dma_semaphore, #tpu.memory_space<semaphore_mem>> -> memref<!tpu.dma_semaphore, #tpu.memory_space<semaphore_mem>>
      tpu.wait_indirect_dma semaphore(%dma_wait3A_460 : memref<!tpu.dma_semaphore, #tpu.memory_space<semaphore_mem>>) src(%dma_wait3A_458 : memref<8192x8192xf32, #tpu.memory_space<hbm>>) dst(%dma_wait3A_453 : memref<1x8192xf32, #tpu.memory_space<vmem>>)
      %add3A_461 = arith.addi %mul3A_2, %add3A_421 : i32
      %dma_wait3A_462 = arith.constant 3 : i32
      %dma_wait3A_463 = arith.constant 3 : i32
      %dma_wait3A_464 = arith.constant 0 : i32
      %dma_wait3A_465 = arith.constant 0 : i32
      %dma_wait3A_466 = tpu.memref_slice %arg8[%dma_wait3A_462, %dma_wait3A_464, %dma_wait3A_465] : memref<4x1x8192xf32, #tpu.memory_space<vmem>> -> memref<1x1x8192xf32, #tpu.memory_space<vmem>>
      %dma_wait3A_467 = tpu.memref_squeeze %dma_wait3A_466 : memref<1x1x8192xf32, #tpu.memory_space<vmem>> -> memref<1x8192xf32, #tpu.memory_space<vmem>>
      %dma_wait3A_468 = arith.constant 0 : i32
      %dma_wait3A_469 = tpu.memref_slice %arg2[%add3A_461, %dma_wait3A_468] : memref<2048x8192xf32, #tpu.memory_space<hbm>> -> memref<1x8192xf32, #tpu.memory_space<hbm>>
      %dma_wait3A_470 = tpu.memref_slice %arg11[%dma_wait3A_463] : memref<4x!tpu.dma_semaphore, #tpu.memory_space<semaphore_mem>> -> memref<1x!tpu.dma_semaphore, #tpu.memory_space<semaphore_mem>>
      %dma_wait3A_471 = tpu.memref_squeeze %dma_wait3A_470 : memref<1x!tpu.dma_semaphore, #tpu.memory_space<semaphore_mem>> -> memref<!tpu.dma_semaphore, #tpu.memory_space<semaphore_mem>>
      %dma_wait3A_472 = arith.constant 0 : i32
      %dma_wait3A_473 = arith.constant 0 : i32
      %dma_wait3A_474 = tpu.memref_slice %arg8[%dma_wait3A_462, %dma_wait3A_472, %dma_wait3A_473] : memref<4x1x8192xf32, #tpu.memory_space<vmem>> -> memref<1x1x8192xf32, #tpu.memory_space<vmem>>
      %dma_wait3A_475 = tpu.memref_squeeze %dma_wait3A_474 : memref<1x1x8192xf32, #tpu.memory_space<vmem>> -> memref<1x8192xf32, #tpu.memory_space<vmem>>
      %dma_wait3A_476 = arith.constant 0 : i32
      %dma_wait3A_477 = tpu.memref_slice %arg2[%add3A_461, %dma_wait3A_476] : memref<2048x8192xf32, #tpu.memory_space<hbm>> -> memref<1x8192xf32, #tpu.memory_space<hbm>>
      tpu.wait_dma2 semaphore(%dma_wait3A_471 : memref<!tpu.dma_semaphore, #tpu.memory_space<semaphore_mem>>) src(%dma_wait3A_477 : memref<1x8192xf32, #tpu.memory_space<hbm>>) dst(%dma_wait3A_475 : memref<1x8192xf32, #tpu.memory_space<vmem>>)
      %broadcast_in_dim3A_478 = arith.constant 0.000000e+00 : f32
      %broadcast_in_dim3A_479 = vector.broadcast %broadcast_in_dim3A_478 : f32 to vector<16xf32>
      %scan3A_480 = arith.constant 0 : i32
      %scan3A_481 = arith.constant 512 : i32
      %scan3A_482 = arith.addi %scan3A_480, %scan3A_481 : i32
      %scan3A_483 = arith.constant 8 : i32
      %scan3A_484:3 = scf.for %scan3A_514 = %scan3A_480 to %scan3A_482 step %scan3A_483 iter_args(%scan3A_515 = %broadcast_in_dim3A_479, %scan3A_516 = %broadcast_in_dim3A_479, %scan3A_517 = %broadcast_in_dim3A_479) -> (vector<16xf32>, vector<16xf32>, vector<16xf32>)  : i32 {
        %mul3A_518 = arith.constant 16 : i32
        %mul3A_519 = arith.muli %scan3A_514, %mul3A_518 : i32
        %get3A = arith.constant 3 : i32
        %get3A_520 = arith.constant 0 : i32
        %get3A_521 = arith.index_cast %get3A : i32 to index
        %get3A_522 = arith.index_cast %get3A_520 : i32 to index
        %get3A_523 = arith.index_cast %mul3A_519 : i32 to index
        %get3A_524 = tpu.vector_load %arg8[%get3A_521, %get3A_522, %get3A_523] {strides = array<i32>} : memref<4x1x8192xf32, #tpu.memory_space<vmem>>, vector<1x1x16xf32>,
        %get3A_525 = vector.shape_cast %get3A_524 : vector<1x1x16xf32> to vector<16xf32>
        %get3A_526 = arith.constant 3 : i32
        %get3A_527 = arith.constant 0 : i32
        %get3A_528 = arith.index_cast %get3A_526 : i32 to index
        %get3A_529 = arith.index_cast %get3A_527 : i32 to index
        %get3A_530 = arith.index_cast %mul3A_519 : i32 to index
        %get3A_531 = tpu.vector_load %arg7[%get3A_528, %get3A_529, %get3A_530] {strides = array<i32>} : memref<4x1x8192xf32, #tpu.memory_space<vmem>>, vector<1x1x16xf32>,
        %get3A_532 = vector.shape_cast %get3A_531 : vector<1x1x16xf32> to vector<16xf32>
        %mul3A_533 = arith.mulf %get3A_525, %get3A_532 : vector<16xf32>
        %add3A_534 = arith.addf %scan3A_515, %mul3A_533 : vector<16xf32>
        %mul3A_535 = arith.mulf %get3A_525, %get3A_525 : vector<16xf32>
        %add3A_536 = arith.addf %scan3A_516, %mul3A_535 : vector<16xf32>
        %mul3A_537 = arith.mulf %get3A_532, %get3A_532 : vector<16xf32>
        %add3A_538 = arith.addf %scan3A_517, %mul3A_537 : vector<16xf32>
        %scan3A_539 = arith.constant 1 : i32
        %scan3A_540 = arith.addi %scan3A_514, %scan3A_539 : i32
        %mul3A_541 = arith.constant 16 : i32
        %mul3A_542 = arith.muli %scan3A_540, %mul3A_541 : i32
        %get3A_543 = arith.constant 3 : i32
        %get3A_544 = arith.constant 0 : i32
        %get3A_545 = arith.index_cast %get3A_543 : i32 to index
        %get3A_546 = arith.index_cast %get3A_544 : i32 to index
        %get3A_547 = arith.index_cast %mul3A_542 : i32 to index
        %get3A_548 = tpu.vector_load %arg8[%get3A_545, %get3A_546, %get3A_547] {strides = array<i32>} : memref<4x1x8192xf32, #tpu.memory_space<vmem>>, vector<1x1x16xf32>,
        %get3A_549 = vector.shape_cast %get3A_548 : vector<1x1x16xf32> to vector<16xf32>
        %get3A_550 = arith.constant 3 : i32
        %get3A_551 = arith.constant 0 : i32
        %get3A_552 = arith.index_cast %get3A_550 : i32 to index
        %get3A_553 = arith.index_cast %get3A_551 : i32 to index
        %get3A_554 = arith.index_cast %mul3A_542 : i32 to index
        %get3A_555 = tpu.vector_load %arg7[%get3A_552, %get3A_553, %get3A_554] {strides = array<i32>} : memref<4x1x8192xf32, #tpu.memory_space<vmem>>, vector<1x1x16xf32>,
        %get3A_556 = vector.shape_cast %get3A_555 : vector<1x1x16xf32> to vector<16xf32>
        %mul3A_557 = arith.mulf %get3A_549, %get3A_556 : vector<16xf32>
        %add3A_558 = arith.addf %add3A_534, %mul3A_557 : vector<16xf32>
        %mul3A_559 = arith.mulf %get3A_549, %get3A_549 : vector<16xf32>
        %add3A_560 = arith.addf %add3A_536, %mul3A_559 : vector<16xf32>
        %mul3A_561 = arith.mulf %get3A_556, %get3A_556 : vector<16xf32>
        %add3A_562 = arith.addf %add3A_538, %mul3A_561 : vector<16xf32>
        %scan3A_563 = arith.constant 2 : i32
        %scan3A_564 = arith.addi %scan3A_514, %scan3A_563 : i32
        %mul3A_565 = arith.constant 16 : i32
        %mul3A_566 = arith.muli %scan3A_564, %mul3A_565 : i32
        %get3A_567 = arith.constant 3 : i32
        %get3A_568 = arith.constant 0 : i32
        %get3A_569 = arith.index_cast %get3A_567 : i32 to index
        %get3A_570 = arith.index_cast %get3A_568 : i32 to index
        %get3A_571 = arith.index_cast %mul3A_566 : i32 to index
        %get3A_572 = tpu.vector_load %arg8[%get3A_569, %get3A_570, %get3A_571] {strides = array<i32>} : memref<4x1x8192xf32, #tpu.memory_space<vmem>>, vector<1x1x16xf32>,
        %get3A_573 = vector.shape_cast %get3A_572 : vector<1x1x16xf32> to vector<16xf32>
        %get3A_574 = arith.constant 3 : i32
        %get3A_575 = arith.constant 0 : i32
        %get3A_576 = arith.index_cast %get3A_574 : i32 to index
        %get3A_577 = arith.index_cast %get3A_575 : i32 to index
        %get3A_578 = arith.index_cast %mul3A_566 : i32 to index
        %get3A_579 = tpu.vector_load %arg7[%get3A_576, %get3A_577, %get3A_578] {strides = array<i32>} : memref<4x1x8192xf32, #tpu.memory_space<vmem>>, vector<1x1x16xf32>,
        %get3A_580 = vector.shape_cast %get3A_579 : vector<1x1x16xf32> to vector<16xf32>
        %mul3A_581 = arith.mulf %get3A_573, %get3A_580 : vector<16xf32>
        %add3A_582 = arith.addf %add3A_558, %mul3A_581 : vector<16xf32>
        %mul3A_583 = arith.mulf %get3A_573, %get3A_573 : vector<16xf32>
        %add3A_584 = arith.addf %add3A_560, %mul3A_583 : vector<16xf32>
        %mul3A_585 = arith.mulf %get3A_580, %get3A_580 : vector<16xf32>
        %add3A_586 = arith.addf %add3A_562, %mul3A_585 : vector<16xf32>
        %scan3A_587 = arith.constant 3 : i32
        %scan3A_588 = arith.addi %scan3A_514, %scan3A_587 : i32
        %mul3A_589 = arith.constant 16 : i32
        %mul3A_590 = arith.muli %scan3A_588, %mul3A_589 : i32
        %get3A_591 = arith.constant 3 : i32
        %get3A_592 = arith.constant 0 : i32
        %get3A_593 = arith.index_cast %get3A_591 : i32 to index
        %get3A_594 = arith.index_cast %get3A_592 : i32 to index
        %get3A_595 = arith.index_cast %mul3A_590 : i32 to index
        %get3A_596 = tpu.vector_load %arg8[%get3A_593, %get3A_594, %get3A_595] {strides = array<i32>} : memref<4x1x8192xf32, #tpu.memory_space<vmem>>, vector<1x1x16xf32>,
        %get3A_597 = vector.shape_cast %get3A_596 : vector<1x1x16xf32> to vector<16xf32>
        %get3A_598 = arith.constant 3 : i32
        %get3A_599 = arith.constant 0 : i32
        %get3A_600 = arith.index_cast %get3A_598 : i32 to index
        %get3A_601 = arith.index_cast %get3A_599 : i32 to index
        %get3A_602 = arith.index_cast %mul3A_590 : i32 to index
        %get3A_603 = tpu.vector_load %arg7[%get3A_600, %get3A_601, %get3A_602] {strides = array<i32>} : memref<4x1x8192xf32, #tpu.memory_space<vmem>>, vector<1x1x16xf32>,
        %get3A_604 = vector.shape_cast %get3A_603 : vector<1x1x16xf32> to vector<16xf32>
        %mul3A_605 = arith.mulf %get3A_597, %get3A_604 : vector<16xf32>
        %add3A_606 = arith.addf %add3A_582, %mul3A_605 : vector<16xf32>
        %mul3A_607 = arith.mulf %get3A_597, %get3A_597 : vector<16xf32>
        %add3A_608 = arith.addf %add3A_584, %mul3A_607 : vector<16xf32>
        %mul3A_609 = arith.mulf %get3A_604, %get3A_604 : vector<16xf32>
        %add3A_610 = arith.addf %add3A_586, %mul3A_609 : vector<16xf32>
        %scan3A_611 = arith.constant 4 : i32
        %scan3A_612 = arith.addi %scan3A_514, %scan3A_611 : i32
        %mul3A_613 = arith.constant 16 : i32
        %mul3A_614 = arith.muli %scan3A_612, %mul3A_613 : i32
        %get3A_615 = arith.constant 3 : i32
        %get3A_616 = arith.constant 0 : i32
        %get3A_617 = arith.index_cast %get3A_615 : i32 to index
        %get3A_618 = arith.index_cast %get3A_616 : i32 to index
        %get3A_619 = arith.index_cast %mul3A_614 : i32 to index
        %get3A_620 = tpu.vector_load %arg8[%get3A_617, %get3A_618, %get3A_619] {strides = array<i32>} : memref<4x1x8192xf32, #tpu.memory_space<vmem>>, vector<1x1x16xf32>,
        %get3A_621 = vector.shape_cast %get3A_620 : vector<1x1x16xf32> to vector<16xf32>
        %get3A_622 = arith.constant 3 : i32
        %get3A_623 = arith.constant 0 : i32
        %get3A_624 = arith.index_cast %get3A_622 : i32 to index
        %get3A_625 = arith.index_cast %get3A_623 : i32 to index
        %get3A_626 = arith.index_cast %mul3A_614 : i32 to index
        %get3A_627 = tpu.vector_load %arg7[%get3A_624, %get3A_625, %get3A_626] {strides = array<i32>} : memref<4x1x8192xf32, #tpu.memory_space<vmem>>, vector<1x1x16xf32>,
        %get3A_628 = vector.shape_cast %get3A_627 : vector<1x1x16xf32> to vector<16xf32>
        %mul3A_629 = arith.mulf %get3A_621, %get3A_628 : vector<16xf32>
        %add3A_630 = arith.addf %add3A_606, %mul3A_629 : vector<16xf32>
        %mul3A_631 = arith.mulf %get3A_621, %get3A_621 : vector<16xf32>
        %add3A_632 = arith.addf %add3A_608, %mul3A_631 : vector<16xf32>
        %mul3A_633 = arith.mulf %get3A_628, %get3A_628 : vector<16xf32>
        %add3A_634 = arith.addf %add3A_610, %mul3A_633 : vector<16xf32>
        %scan3A_635 = arith.constant 5 : i32
        %scan3A_636 = arith.addi %scan3A_514, %scan3A_635 : i32
        %mul3A_637 = arith.constant 16 : i32
        %mul3A_638 = arith.muli %scan3A_636, %mul3A_637 : i32
        %get3A_639 = arith.constant 3 : i32
        %get3A_640 = arith.constant 0 : i32
        %get3A_641 = arith.index_cast %get3A_639 : i32 to index
        %get3A_642 = arith.index_cast %get3A_640 : i32 to index
        %get3A_643 = arith.index_cast %mul3A_638 : i32 to index
        %get3A_644 = tpu.vector_load %arg8[%get3A_641, %get3A_642, %get3A_643] {strides = array<i32>} : memref<4x1x8192xf32, #tpu.memory_space<vmem>>, vector<1x1x16xf32>,
        %get3A_645 = vector.shape_cast %get3A_644 : vector<1x1x16xf32> to vector<16xf32>
        %get3A_646 = arith.constant 3 : i32
        %get3A_647 = arith.constant 0 : i32
        %get3A_648 = arith.index_cast %get3A_646 : i32 to index
        %get3A_649 = arith.index_cast %get3A_647 : i32 to index
        %get3A_650 = arith.index_cast %mul3A_638 : i32 to index
        %get3A_651 = tpu.vector_load %arg7[%get3A_648, %get3A_649, %get3A_650] {strides = array<i32>} : memref<4x1x8192xf32, #tpu.memory_space<vmem>>, vector<1x1x16xf32>,
        %get3A_652 = vector.shape_cast %get3A_651 : vector<1x1x16xf32> to vector<16xf32>
        %mul3A_653 = arith.mulf %get3A_645, %get3A_652 : vector<16xf32>
        %add3A_654 = arith.addf %add3A_630, %mul3A_653 : vector<16xf32>
        %mul3A_655 = arith.mulf %get3A_645, %get3A_645 : vector<16xf32>
        %add3A_656 = arith.addf %add3A_632, %mul3A_655 : vector<16xf32>
        %mul3A_657 = arith.mulf %get3A_652, %get3A_652 : vector<16xf32>
        %add3A_658 = arith.addf %add3A_634, %mul3A_657 : vector<16xf32>
        %scan3A_659 = arith.constant 6 : i32
        %scan3A_660 = arith.addi %scan3A_514, %scan3A_659 : i32
        %mul3A_661 = arith.constant 16 : i32
        %mul3A_662 = arith.muli %scan3A_660, %mul3A_661 : i32
        %get3A_663 = arith.constant 3 : i32
        %get3A_664 = arith.constant 0 : i32
        %get3A_665 = arith.index_cast %get3A_663 : i32 to index
        %get3A_666 = arith.index_cast %get3A_664 : i32 to index
        %get3A_667 = arith.index_cast %mul3A_662 : i32 to index
        %get3A_668 = tpu.vector_load %arg8[%get3A_665, %get3A_666, %get3A_667] {strides = array<i32>} : memref<4x1x8192xf32, #tpu.memory_space<vmem>>, vector<1x1x16xf32>,
        %get3A_669 = vector.shape_cast %get3A_668 : vector<1x1x16xf32> to vector<16xf32>
        %get3A_670 = arith.constant 3 : i32
        %get3A_671 = arith.constant 0 : i32
        %get3A_672 = arith.index_cast %get3A_670 : i32 to index
        %get3A_673 = arith.index_cast %get3A_671 : i32 to index
        %get3A_674 = arith.index_cast %mul3A_662 : i32 to index
        %get3A_675 = tpu.vector_load %arg7[%get3A_672, %get3A_673, %get3A_674] {strides = array<i32>} : memref<4x1x8192xf32, #tpu.memory_space<vmem>>, vector<1x1x16xf32>,
        %get3A_676 = vector.shape_cast %get3A_675 : vector<1x1x16xf32> to vector<16xf32>
        %mul3A_677 = arith.mulf %get3A_669, %get3A_676 : vector<16xf32>
        %add3A_678 = arith.addf %add3A_654, %mul3A_677 : vector<16xf32>
        %mul3A_679 = arith.mulf %get3A_669, %get3A_669 : vector<16xf32>
        %add3A_680 = arith.addf %add3A_656, %mul3A_679 : vector<16xf32>
        %mul3A_681 = arith.mulf %get3A_676, %get3A_676 : vector<16xf32>
        %add3A_682 = arith.addf %add3A_658, %mul3A_681 : vector<16xf32>
        %scan3A_683 = arith.constant 7 : i32
        %scan3A_684 = arith.addi %scan3A_514, %scan3A_683 : i32
        %mul3A_685 = arith.constant 16 : i32
        %mul3A_686 = arith.muli %scan3A_684, %mul3A_685 : i32
        %get3A_687 = arith.constant 3 : i32
        %get3A_688 = arith.constant 0 : i32
        %get3A_689 = arith.index_cast %get3A_687 : i32 to index
        %get3A_690 = arith.index_cast %get3A_688 : i32 to index
        %get3A_691 = arith.index_cast %mul3A_686 : i32 to index
        %get3A_692 = tpu.vector_load %arg8[%get3A_689, %get3A_690, %get3A_691] {strides = array<i32>} : memref<4x1x8192xf32, #tpu.memory_space<vmem>>, vector<1x1x16xf32>,
        %get3A_693 = vector.shape_cast %get3A_692 : vector<1x1x16xf32> to vector<16xf32>
        %get3A_694 = arith.constant 3 : i32
        %get3A_695 = arith.constant 0 : i32
        %get3A_696 = arith.index_cast %get3A_694 : i32 to index
        %get3A_697 = arith.index_cast %get3A_695 : i32 to index
        %get3A_698 = arith.index_cast %mul3A_686 : i32 to index
        %get3A_699 = tpu.vector_load %arg7[%get3A_696, %get3A_697, %get3A_698] {strides = array<i32>} : memref<4x1x8192xf32, #tpu.memory_space<vmem>>, vector<1x1x16xf32>,
        %get3A_700 = vector.shape_cast %get3A_699 : vector<1x1x16xf32> to vector<16xf32>
        %mul3A_701 = arith.mulf %get3A_693, %get3A_700 : vector<16xf32>
        %add3A_702 = arith.addf %add3A_678, %mul3A_701 : vector<16xf32>
        %mul3A_703 = arith.mulf %get3A_693, %get3A_693 : vector<16xf32>
        %add3A_704 = arith.addf %add3A_680, %mul3A_703 : vector<16xf32>
        %mul3A_705 = arith.mulf %get3A_700, %get3A_700 : vector<16xf32>
        %add3A_706 = arith.addf %add3A_682, %mul3A_705 : vector<16xf32>
        scf.yield %add3A_702, %add3A_704, %add3A_706 : vector<16xf32>, vector<16xf32>, vector<16xf32>
      }
      %scan3A_485 = arith.constant 512 : i32
      %swap3A_486 = arith.constant 0 : i32
      %swap3A_487 = arith.index_cast %swap3A_486 : i32 to index
      %swap3A_488 = arith.index_cast %add3A_421 : i32 to index
      %swap3A_489 = arith.constant 0 : index
      %swap3A_490 = tpu.vector_load %arg9[%swap3A_487, %swap3A_488, %swap3A_489] {strides = array<i32>} : memref<3x64x16xf32, #tpu.memory_space<vmem>>, vector<1x1x16xf32>,
      %swap3A_491 = vector.shape_cast %swap3A_490 : vector<1x1x16xf32> to vector<16xf32>
      %swap3A_492 = vector.shape_cast %scan3A_484#0 : vector<16xf32> to vector<1x1x16xf32>
      tpu.vector_store %arg9[%swap3A_487, %swap3A_488, %swap3A_489], %swap3A_492 {strides = array<i32>} : memref<3x64x16xf32, #tpu.memory_space<vmem>>, vector<1x1x16xf32>,
      %swap3A_493 = arith.constant 1 : i32
      %swap3A_494 = arith.index_cast %swap3A_493 : i32 to index
      %swap3A_495 = arith.index_cast %add3A_421 : i32 to index
      %swap3A_496 = arith.constant 0 : index
      %swap3A_497 = tpu.vector_load %arg9[%swap3A_494, %swap3A_495, %swap3A_496] {strides = array<i32>} : memref<3x64x16xf32, #tpu.memory_space<vmem>>, vector<1x1x16xf32>,
      %swap3A_498 = vector.shape_cast %swap3A_497 : vector<1x1x16xf32> to vector<16xf32>
      %swap3A_499 = vector.shape_cast %scan3A_484#1 : vector<16xf32> to vector<1x1x16xf32>
      tpu.vector_store %arg9[%swap3A_494, %swap3A_495, %swap3A_496], %swap3A_499 {strides = array<i32>} : memref<3x64x16xf32, #tpu.memory_space<vmem>>, vector<1x1x16xf32>,
      %swap3A_500 = arith.constant 2 : i32
      %swap3A_501 = arith.index_cast %swap3A_500 : i32 to index
      %swap3A_502 = arith.index_cast %add3A_421 : i32 to index
      %swap3A_503 = arith.constant 0 : index
      %swap3A_504 = tpu.vector_load %arg9[%swap3A_501, %swap3A_502, %swap3A_503] {strides = array<i32>} : memref<3x64x16xf32, #tpu.memory_space<vmem>>, vector<1x1x16xf32>,
      %swap3A_505 = vector.shape_cast %swap3A_504 : vector<1x1x16xf32> to vector<16xf32>
      %swap3A_506 = vector.shape_cast %scan3A_484#2 : vector<16xf32> to vector<1x1x16xf32>
      tpu.vector_store %arg9[%swap3A_501, %swap3A_502, %swap3A_503], %swap3A_506 {strides = array<i32>} : memref<3x64x16xf32, #tpu.memory_space<vmem>>, vector<1x1x16xf32>,
      %add3A_507 = arith.constant 4 : i32
      %add3A_508 = arith.addi %add3A_421, %add3A_507 : i32
      %lt3A_509 = arith.constant 64 : i32
      %lt3A_510 = arith.cmpi slt, %add3A_508, %lt3A_509 : i32
      %convert_element_type3A_511 = arith.extui %lt3A_510 : i1 to i32
      %cond3A_512 = arith.constant 0 : i32
      %cond3A_513 = arith.cmpi ne, %convert_element_type3A_511, %cond3A_512 : i32
      scf.if %cond3A_513 {
        %add3A_514 = arith.constant 4 : i32
        %add3A_515 = arith.addi %add3A_421, %add3A_514 : i32
        %jit3A_516 = arith.constant 32 : i32
        %div3A_517 = arith.divsi %add3A_515, %jit3A_516 : i32
        %sign3A_518 = arith.constant 0 : i32
        %sign3A_519 = arith.cmpi sgt, %add3A_515, %sign3A_518 : i32
        %sign3A_520 = arith.extui %sign3A_519 : i1 to i32
        %sign3A_521 = arith.constant 0 : i32
        %sign3A_522 = arith.cmpi slt, %add3A_515, %sign3A_521 : i32
        %sign3A_523 = arith.extui %sign3A_522 : i1 to i32
        %sign3A_524 = arith.subi %sign3A_520, %sign3A_523 : i32
        %sign3A_525 = arith.constant 0 : i32
        %sign3A_526 = arith.cmpi sgt, %jit3A_516, %sign3A_525 : i32
        %sign3A_527 = arith.extui %sign3A_526 : i1 to i32
        %sign3A_528 = arith.constant 0 : i32
        %sign3A_529 = arith.cmpi slt, %jit3A_516, %sign3A_528 : i32
        %sign3A_530 = arith.extui %sign3A_529 : i1 to i32
        %sign3A_531 = arith.subi %sign3A_527, %sign3A_530 : i32
        %ne3A_532 = arith.cmpi ne, %sign3A_524, %sign3A_531 : i32
        %rem3A_533 = arith.remsi %add3A_515, %jit3A_516 : i32
        %ne3A_534 = arith.constant 0 : i32
        %ne3A_535 = arith.cmpi ne, %rem3A_533, %ne3A_534 : i32
        %and3A_536 = arith.andi %ne3A_532, %ne3A_535 : i1
        %sub3A_537 = arith.constant 1 : i32
        %sub3A_538 = arith.subi %div3A_517, %sub3A_537 : i32
        %select_n3A_539 = arith.select %and3A_536, %sub3A_538, %div3A_517 : i32
        %rem3A_540 = arith.constant 32 : i32
        %rem3A_541 = arith.remsi %add3A_515, %rem3A_540 : i32
        %dma_start3A_542 = arith.constant 3 : i32
        %dma_start3A_543 = arith.constant 3 : i32
        %dma_start3A_544 = arith.constant 0 : i32
        %dma_start3A_545 = arith.constant 0 : i32
        %dma_start3A_546 = tpu.memref_slice %arg7[%dma_start3A_542, %dma_start3A_544, %dma_start3A_545] : memref<4x1x8192xf32, #tpu.memory_space<vmem>> -> memref<1x1x8192xf32, #tpu.memory_space<vmem>>
        %dma_start3A_547 = tpu.memref_squeeze %dma_start3A_546 : memref<1x1x8192xf32, #tpu.memory_space<vmem>> -> memref<1x8192xf32, #tpu.memory_space<vmem>>
        %dma_start3A_548 = tpu.memref_slice %arg6[%select_n3A_539, %rem3A_541] : memref<2x32xi32, #tpu.memory_space<vmem>> -> memref<1x1xi32, #tpu.memory_space<vmem>>
        %dma_start3A_549 = tpu.memref_squeeze %dma_start3A_548 : memref<1x1xi32, #tpu.memory_space<vmem>> -> memref<1xi32, #tpu.memory_space<vmem>>
        %dma_start3A_550 = arith.constant 0 : i32
        %dma_start3A_551 = arith.constant 0 : i32
        %dma_start3A_552 = tpu.memref_slice %arg3[%dma_start3A_550, %dma_start3A_551] : memref<8192x8192xf32, #tpu.memory_space<hbm>> -> memref<8192x8192xf32, #tpu.memory_space<hbm>>
        %dma_start3A_553 = tpu.memref_slice %arg10[%dma_start3A_543] : memref<4x!tpu.dma_semaphore, #tpu.memory_space<semaphore_mem>> -> memref<1x!tpu.dma_semaphore, #tpu.memory_space<semaphore_mem>>
        %dma_start3A_554 = tpu.memref_squeeze %dma_start3A_553 : memref<1x!tpu.dma_semaphore, #tpu.memory_space<semaphore_mem>> -> memref<!tpu.dma_semaphore, #tpu.memory_space<semaphore_mem>>
        tpu.enqueue_indirect_dma source(%dma_start3A_552 : memref<8192x8192xf32, #tpu.memory_space<hbm>>) target(%dma_start3A_547 : memref<1x8192xf32, #tpu.memory_space<vmem>>) offsets(%dma_start3A_549 : memref<1xi32, #tpu.memory_space<vmem>>) semaphore(%dma_start3A_554 : memref<!tpu.dma_semaphore, #tpu.memory_space<semaphore_mem>>)
        %add3A_555 = arith.addi %mul3A_2, %add3A_515 : i32
        %dma_start3A_556 = arith.constant 3 : i32
        %dma_start3A_557 = arith.constant 3 : i32
        %dma_start3A_558 = arith.constant 0 : i32
        %dma_start3A_559 = arith.constant 0 : i32
        %dma_start3A_560 = tpu.memref_slice %arg8[%dma_start3A_556, %dma_start3A_558, %dma_start3A_559] : memref<4x1x8192xf32, #tpu.memory_space<vmem>> -> memref<1x1x8192xf32, #tpu.memory_space<vmem>>
        %dma_start3A_561 = tpu.memref_squeeze %dma_start3A_560 : memref<1x1x8192xf32, #tpu.memory_space<vmem>> -> memref<1x8192xf32, #tpu.memory_space<vmem>>
        %dma_start3A_562 = arith.constant 0 : i32
        %dma_start3A_563 = tpu.memref_slice %arg2[%add3A_555, %dma_start3A_562] : memref<2048x8192xf32, #tpu.memory_space<hbm>> -> memref<1x8192xf32, #tpu.memory_space<hbm>>
        %dma_start3A_564 = tpu.memref_slice %arg11[%dma_start3A_557] : memref<4x!tpu.dma_semaphore, #tpu.memory_space<semaphore_mem>> -> memref<1x!tpu.dma_semaphore, #tpu.memory_space<semaphore_mem>>
        %dma_start3A_565 = tpu.memref_squeeze %dma_start3A_564 : memref<1x!tpu.dma_semaphore, #tpu.memory_space<semaphore_mem>> -> memref<!tpu.dma_semaphore, #tpu.memory_space<semaphore_mem>>
        %dma_start3A_566 = arith.constant 0 : i32
        %dma_start3A_567 = arith.constant 0 : i32
        %dma_start3A_568 = tpu.memref_slice %arg8[%dma_start3A_556, %dma_start3A_566, %dma_start3A_567] : memref<4x1x8192xf32, #tpu.memory_space<vmem>> -> memref<1x1x8192xf32, #tpu.memory_space<vmem>>
        %dma_start3A_569 = tpu.memref_squeeze %dma_start3A_568 : memref<1x1x8192xf32, #tpu.memory_space<vmem>> -> memref<1x8192xf32, #tpu.memory_space<vmem>>
        %dma_start3A_570 = arith.constant 0 : i32
        %dma_start3A_571 = tpu.memref_slice %arg2[%add3A_555, %dma_start3A_570] : memref<2048x8192xf32, #tpu.memory_space<hbm>> -> memref<1x8192xf32, #tpu.memory_space<hbm>>
        tpu.enqueue_dma source(%dma_start3A_571 : memref<1x8192xf32, #tpu.memory_space<hbm>>) target(%dma_start3A_569 : memref<1x8192xf32, #tpu.memory_space<vmem>>) target_semaphore(%dma_start3A_565 : memref<!tpu.dma_semaphore, #tpu.memory_space<semaphore_mem>>)
      } else {
      }
    }
    %scan3A_147 = arith.constant 16 : i32
    "tpu.region"() ({
      %run_scoped3A = tpu.sem_alloc : memref<!tpu.dma_semaphore, #tpu.memory_space<semaphore_mem>>
      %dma_start3A_148 = arith.constant 0 : i32
      %dma_start3A_149 = arith.constant 0 : i32
      %dma_start3A_150 = arith.constant 0 : i32
      %dma_start3A_151 = tpu.memref_slice %arg5[%add3A, %dma_start3A_148, %dma_start3A_149, %dma_start3A_150] : memref<32x3x64x16xf32, #tpu.memory_space<hbm>> -> memref<1x3x64x16xf32, #tpu.memory_space<hbm>>
      %dma_start3A_152 = tpu.memref_squeeze %dma_start3A_151 : memref<1x3x64x16xf32, #tpu.memory_space<hbm>> -> memref<3x64x16xf32, #tpu.memory_space<hbm>>
      %dma_start3A_153 = arith.constant 0 : i32
      %dma_start3A_154 = arith.constant 0 : i32
      %dma_start3A_155 = arith.constant 0 : i32
      %dma_start3A_156 = tpu.memref_slice %arg5[%add3A, %dma_start3A_153, %dma_start3A_154, %dma_start3A_155] : memref<32x3x64x16xf32, #tpu.memory_space<hbm>> -> memref<1x3x64x16xf32, #tpu.memory_space<hbm>>
      %dma_start3A_157 = tpu.memref_squeeze %dma_start3A_156 : memref<1x3x64x16xf32, #tpu.memory_space<hbm>> -> memref<3x64x16xf32, #tpu.memory_space<hbm>>
      tpu.enqueue_dma source(%arg9 : memref<3x64x16xf32, #tpu.memory_space<vmem>>) target(%dma_start3A_157 : memref<3x64x16xf32, #tpu.memory_space<hbm>>) target_semaphore(%run_scoped3A : memref<!tpu.dma_semaphore, #tpu.memory_space<semaphore_mem>>)
      %dma_wait3A = arith.constant 0 : i32
      %dma_wait3A_158 = arith.constant 0 : i32
      %dma_wait3A_159 = arith.constant 0 : i32
      %dma_wait3A_160 = tpu.memref_slice %arg5[%add3A, %dma_wait3A, %dma_wait3A_158, %dma_wait3A_159] : memref<32x3x64x16xf32, #tpu.memory_space<hbm>> -> memref<1x3x64x16xf32, #tpu.memory_space<hbm>>
      %dma_wait3A_161 = tpu.memref_squeeze %dma_wait3A_160 : memref<1x3x64x16xf32, #tpu.memory_space<hbm>> -> memref<3x64x16xf32, #tpu.memory_space<hbm>>
      %dma_wait3A_162 = arith.constant 0 : i32
      %dma_wait3A_163 = arith.constant 0 : i32
      %dma_wait3A_164 = arith.constant 0 : i32
      %dma_wait3A_165 = tpu.memref_slice %arg5[%add3A, %dma_wait3A_162, %dma_wait3A_163, %dma_wait3A_164] : memref<32x3x64x16xf32, #tpu.memory_space<hbm>> -> memref<1x3x64x16xf32, #tpu.memory_space<hbm>>
      %dma_wait3A_166 = tpu.memref_squeeze %dma_wait3A_165 : memref<1x3x64x16xf32, #tpu.memory_space<hbm>> -> memref<3x64x16xf32, #tpu.memory_space<hbm>>
      tpu.wait_dma2 semaphore(%run_scoped3A : memref<!tpu.dma_semaphore, #tpu.memory_space<semaphore_mem>>) src(%arg9 : memref<3x64x16xf32, #tpu.memory_space<vmem>>) dst(%dma_wait3A_166 : memref<3x64x16xf32, #tpu.memory_space<hbm>>)
      tpu.yield
    }) : () -> ()
    return
  }
}

module attributes {stable_mosaic.version = 14 : i64} {
  func.func @similarity_loss_epilogue_tc(%arg0: memref<32x3x64x16xf32, #tpu.memory_space<vmem>>, %arg1: memref<1x1xf32, #tpu.memory_space<smem>>) attributes {dimension_semantics = [], scalar_prefetch = 0 : i64, scratch_operands = 0 : i64, tpu.core_type = #tpu.core_type<tc>} {
    %get3A = arith.constant 0 : index
    %get3A_0 = arith.constant 0 : index
    %get3A_1 = arith.constant 0 : index
    %get3A_2 = arith.constant 0 : index
    %get3A_3 = vector.load %arg0[%get3A, %get3A_0, %get3A_1, %get3A_2] : memref<32x3x64x16xf32, #tpu.memory_space<vmem>>, vector<32x3x64x16xf32>
    %reduce_sum3A = arith.constant dense<0.000000e+00> : vector<32x3x64xf32>
    %reduce_sum3A_4 = vector.multi_reduction <add>, %get3A_3, %reduce_sum3A [3] : vector<32x3x64x16xf32> to vector<32x3x64xf32>
    %slice3A = vector.extract_strided_slice %reduce_sum3A_4 {offsets = [0, 0, 0], sizes = [32, 1, 64], strides = [1, 1, 1]} : vector<32x3x64xf32> to vector<32x1x64xf32>
    %squeeze3A = vector.shape_cast %slice3A : vector<32x1x64xf32> to vector<32x64xf32>
    %slice3A_5 = vector.extract_strided_slice %reduce_sum3A_4 {offsets = [0, 1, 0], sizes = [32, 1, 64], strides = [1, 1, 1]} : vector<32x3x64xf32> to vector<32x1x64xf32>
    %squeeze3A_6 = vector.shape_cast %slice3A_5 : vector<32x1x64xf32> to vector<32x64xf32>
    %slice3A_7 = vector.extract_strided_slice %reduce_sum3A_4 {offsets = [0, 2, 0], sizes = [32, 1, 64], strides = [1, 1, 1]} : vector<32x3x64xf32> to vector<32x1x64xf32>
    %squeeze3A_8 = vector.shape_cast %slice3A_7 : vector<32x1x64xf32> to vector<32x64xf32>
    %sqrt3A = math.sqrt %squeeze3A_6 : vector<32x64xf32>
    %max3A = arith.constant 9.99999996E-13 : f32
    %max3A_9 = vector.broadcast %max3A : f32 to vector<32x64xf32>
    %max3A_10 = arith.maximumf %sqrt3A, %max3A_9 : vector<32x64xf32>
    %div3A = arith.divf %squeeze3A, %max3A_10 : vector<32x64xf32>
    %div3A_11 = arith.divf %sqrt3A, %max3A_10 : vector<32x64xf32>
    %sqrt3A_12 = math.sqrt %squeeze3A_8 : vector<32x64xf32>
    %mul3A = arith.mulf %div3A_11, %sqrt3A_12 : vector<32x64xf32>
    %max3A_13 = arith.constant 9.99999993E-9 : f32
    %max3A_14 = vector.broadcast %max3A_13 : f32 to vector<32x64xf32>
    %max3A_15 = arith.maximumf %mul3A, %max3A_14 : vector<32x64xf32>
    %div3A_16 = arith.divf %div3A, %max3A_15 : vector<32x64xf32>
    %sub3A = arith.constant 1.000000e+00 : f32
    %sub3A_17 = vector.broadcast %sub3A : f32 to vector<32x64xf32>
    %sub3A_18 = arith.subf %sub3A_17, %div3A_16 : vector<32x64xf32>
    %reduce_sum3A_19 = vector.shape_cast %sub3A_18 : vector<32x64xf32> to vector<1x32x64xf32>
    %reduce_sum3A_20 = arith.constant dense<0.000000e+00> : vector<1xf32>
    %reduce_sum3A_21 = vector.multi_reduction <add>, %reduce_sum3A_19, %reduce_sum3A_20 [1, 2] : vector<1x32x64xf32> to vector<1xf32>
    %reduce_sum3A_22 = vector.shape_cast %reduce_sum3A_21 : vector<1xf32> to vector<1x1x1xf32>
    %reduce_sum3A_23 = vector.extract %reduce_sum3A_22[0, 0, 0] : f32 from vector<1x1x1xf32>
    %div3A_24 = arith.constant 2.048000e+03 : f32
    %div3A_25 = arith.divf %reduce_sum3A_23, %div3A_24 : f32
    %swap3A = arith.constant 0 : index
    %swap3A_26 = arith.constant 0 : index
    %swap3A_27 = memref.load %arg1[%swap3A, %swap3A_26] : memref<1x1xf32, #tpu.memory_space<smem>>
    memref.store %div3A_25, %arg1[%swap3A, %swap3A_26] : memref<1x1xf32, #tpu.memory_space<smem>>
    return
  }
}

</mosaic_0001>

<sc_bundles>
// kernel: similarity_gather_dot_sc.3.cloned.1.call-start
scs
__scs_entry_jumppad:
0x0: {  	(pc) =	sbr.rel $0x88, $3  }
0x1: {  	(tag) =	ssettag $0x0;
	lr =	simm.s32 $0x1  }
0x2: {  	[smem:$0x3F9E] =	sst lr;
	_ =	strace $0xD0000000  }
0x3: {  	_ = 	snop  }
0x4: {  	_ = 	snop  }
0x5: {  	_ = 	snop  }
0x6: {  	_ = 	snop  }
0x7: {  	_ = 	snop  }
__scs_overlays_trampoline_lowered:
0x8: {  	[smem:$0x3FAD] =	sst s0  }
0x9: {  	[smem:$0x3FAE] =	sst s1  }
0xa: {  	[smem:$0x3FAF] =	sst s2  }
0xb: {  	[smem:$0x3FB0] =	sst s3  }
0xc: {  	[smem:$0x3FB1] =	sst s4  }
0xd: {  	[smem:$0x3FB2] =	sst s5  }
0xe: {  	[smem:$0x3FB3] =	sst s6  }
0xf: {  	[smem:$0x3FB4] =	sst s7  }
0x10: {  	[smem:$0x3FB5] =	sst s8  }
0x11: {  	[smem:$0x3FB6] =	sst s9;
	s0 =	simm.s32 @!p0 $0x0  }
0x12: {  	s1 =	sld [smem:$0x3F9C];
	s0 =	simm.s32 @p0 $0x1  }
0x13: {  	[smem:$0x3FB7] =	sst s0;
	s0 =	simm.s32 @!p1 $0x0  }
0x14: {  	s2 =	sld [smem:$0x3F9B];
	s0 =	simm.s32 @p1 $0x1  }
0x15: {  	[smem:$0x3FB8] =	sst s0;
	s0 =	simm.s32 @!p2 $0x0  }
0x16: {  	s3 =	sld [smem:$0x3FDB];
	s0 =	simm.s32 @p2 $0x1  }
0x17: {  	s4 =	simm.s32 $0x1BF5;
	[smem:$0x3FBA] =	sst s0  }
0x18: {  	s0 =	sld [smem:$0x3F9D];
	_ =	swait.ge [sflag:s4], $0x0  }
0x19: {  	s7 =	sld [smem:$0x3F9E]  }
0x1a: {  	s8 =	sadd.s32 $0xFFFFE003, lr  }
0x1b: {  	s9 =	sadd.s32 $0xFFFFFEF7, lr;
	s5 =	simm.s32 $0xFFFFFFFF;
	p2 =	slt.u32 s8, $0xFFFFF086  }
0x1c: {  	p1 =	slt.u32 s9, $0xF7A;
	s5 =	simm.s32 @!p2 $0x0  }
0x1d: {  	s5 =	simm.s32 @p1 $0x1;
	p0 =	seq.s32 s7, s2  }
0x1e: {  	s7 =	smul.u32 @!p0 $0xF7A, s2;
	p2 =	seq.s32 @!p0 s5, $0x0  }
0x1f: {  	s9 =	smul.u32 $0xF7A, s1;
	s8 =	simm.s32 @!p0 $0x1BF5;
	p2 =	por !p2, p0  }
0x20: {  	[sflag:s8] =	ssyncset.s32 @!p0 $0xFFFFF086;
	s6 =	sadd.s32 @!p0 s3, s7;
	s7 =	simm.s32 @!p0 $0x108  }
0x21: {  	s3 =	sadd.s32 s3, s9;
	s6 =	sadd.s32 @!p0 $0x88, s6;
	s7 =	simm.s32 @p2 $0x1082  }
0x22: {  	[simem:s7], [sflag:s8] =	dma.local @!p0 [hbm:s6], $0xF7A  }
0x23: {  	s9 =	sor.u32 $0xD0000000, s2;
	s6 =	simm.s32 $0x108;
	_ =	swait.ge @!p0 [sflag:s8], $0x0  }
0x24: {  	s3 =	sadd.s32 $0x88, s3;
	s6 =	simm.s32 @!p1 $0x1082;
	[sflag:s4] =	ssyncset.s32 $0xFFFFF086  }
0x25: {  	[simem:s6], [sflag:s4] =	dma.local [hbm:s3], $0xF7A  }
0x26: {  	[smem:$0x3F9E] =	sst s1;
	(tag) =	ssettag s2;
	_ =	strace s9  }
0x27: {  	s1 =	sld [smem:$0x3FAE]  }
0x28: {  	s2 =	sld [smem:$0x3FAF]  }
0x29: {  	s4 =	sld [smem:$0x3FB1]  }
0x2a: {  	p0 =	seq.s32 s5, $0x0;
	s5 =	sld [smem:$0x3FB2]  }
0x2b: {  	s6 =	sld [smem:$0x3FB3]  }
0x2c: {  	s7 =	sld [smem:$0x3FB4]  }
0x2d: {  	s3 =	simm.s32 $0x108;
	s8 =	sld [smem:$0x3FB5]  }
0x2e: {  	s3 =	simm.s32 @!p0 $0x1082;
	s9 =	sld [smem:$0x3FB6]  }
0x2f: {  	lr =	sadd.s32 s0, s3;
	s0 =	sld [smem:$0x3FAD]  }
0x30: {  	s3 =	sld [smem:$0x3FB0]  }
0x31: {  	[smem:$0x3FB9] =	sst s10  }
0x32: {  	s10 =	sld [smem:$0x3FB7];
	_ =	sdelay $0x3  }
0x33: {  	p0 =	seq.s32 s10, $0x1;
	s10 =	sld [smem:$0x3FB9];
	_ =	sdelay $0x3  }
0x34: {  	[smem:$0x3FB9] =	sst s10  }
0x35: {  	s10 =	sld [smem:$0x3FB8];
	_ =	sdelay $0x3  }
0x36: {  	p1 =	seq.s32 s10, $0x1;
	s10 =	sld [smem:$0x3FB9];
	_ =	sdelay $0x3  }
0x37: {  	[smem:$0x3FB9] =	sst s10  }
0x38: {  	s10 =	sld [smem:$0x3FBA]  }
0x39: {  	_ = 	snop;
	(pc) =	sbr.ind lr, $3  }
0x3a: {  	_ = 	snop  }
0x3b: {  	_ = 	snop  }
0x3c: {  	p2 =	seq.s32 s10, $0x1;
	s10 =	sld [smem:$0x3FB9]  }
0x3d: {  	_ =	shalt  }
0x3e: {  	_ =	shalt  }
0x3f: {  	_ =	shalt  }
0x40: {  	_ =	shalt  }
0x41: {  	_ =	shalt  }
0x42: {  	_ =	shalt  }
0x43: {  	_ =	shalt  }
0x44: {  	_ =	shalt  }
0x45: {  	_ =	shalt  }
0x46: {  	_ =	shalt  }
0x47: {  	_ =	shalt  }
0x48: {  	_ =	shalt  }
0x49: {  	_ =	shalt  }
0x4a: {  	_ =	shalt  }
0x4b: {  	_ =	shalt  }
0x4c: {  	_ =	shalt  }
0x4d: {  	_ =	shalt  }
0x4e: {  	_ =	shalt  }
0x4f: {  	_ =	shalt  }
0x50: {  	_ =	shalt  }
0x51: {  	_ =	shalt  }
0x52: {  	_ =	shalt  }
0x53: {  	_ =	shalt  }
0x54: {  	_ =	shalt  }
0x55: {  	_ =	shalt  }
0x56: {  	_ =	shalt  }
0x57: {  	_ =	shalt  }
0x58: {  	_ =	shalt  }
0x59: {  	_ =	shalt  }
0x5a: {  	_ =	shalt  }
0x5b: {  	_ =	shalt  }
0x5c: {  	_ =	shalt  }
0x5d: {  	_ =	shalt  }
0x5e: {  	_ =	shalt  }
0x5f: {  	_ =	shalt  }
0x60: {  	_ =	shalt  }
0x61: {  	_ =	shalt  }
0x62: {  	_ =	shalt  }
0x63: {  	_ =	shalt  }
0x64: {  	_ =	shalt  }
0x65: {  	_ =	shalt  }
0x66: {  	_ =	shalt  }
0x67: {  	_ =	shalt  }
0x68: {  	_ =	shalt  }
0x69: {  	_ =	shalt  }
0x6a: {  	_ =	shalt  }
0x6b: {  	_ =	shalt  }
0x6c: {  	_ =	shalt  }
0x6d: {  	_ =	shalt  }
0x6e: {  	_ =	shalt  }
0x6f: {  	_ =	shalt  }
0x70: {  	_ =	shalt  }
0x71: {  	_ =	shalt  }
0x72: {  	_ =	shalt  }
0x73: {  	_ =	shalt  }
0x74: {  	_ =	shalt  }
0x75: {  	_ =	shalt  }
0x76: {  	_ =	shalt  }
0x77: {  	_ =	shalt  }
0x78: {  	_ =	shalt  }
0x79: {  	_ =	shalt  }
0x7a: {  	_ =	shalt  }
0x7b: {  	_ =	shalt  }
0x7c: {  	_ =	shalt  }
0x7d: {  	_ =	shalt  }
0x7e: {  	_ =	shalt  }
0x7f: {  	_ =	shalt  }
0x80: {  	_ =	shalt  }
0x81: {  	_ =	shalt  }
0x82: {  	_ =	shalt  }
0x83: {  	_ =	shalt  }
0x84: {  	_ =	shalt  }
0x85: {  	_ =	shalt  }
0x86: {  	_ =	shalt  }
0x87: {  	_ =	shalt  }
.Lfunc_end0:
.L_simem_size_0:
called_computation_lowered:
.L_overlay_start_0:
0x88: {  	s2 =	sld [smem:$0x3FD9]  }
0x89: {  	s3 =	sld [smem:$0x3FFE];
	_ =	sdelay $0x1  }
0x8a: {  	s1 =	srdreg.scid  }
0x8b: {  	s0 =	sand.u32 $0x1, s1  }
0x8c: {  	s17 =	sshll.u32 s0, $0xA;
	s2 =	sadd.s32 s3, s2  }
0x8d: {  	s2 =	sadd.s32 s2, s17  }
0x8e: {  	[smem:$0x3FC5] =	sst s2  }
0x8f: {  	_ = 	snop  }
0x90: {  	s2 =	sld [smem:$0x3FC9]  }
0x91: {  	s18 =	sld [smem:$0x3FC8];
	(tm) =	ssettm $0x1  }
0x92: {  	s4 =	sld [smem:$0x3FFB];
	_ =	sdelay $0x3  }
0x93: {  	_ =	strace s4  }
0x94: {  	s4 =	sld [smem:$0x3FFC];
	_ =	sdelay $0x3  }
0x95: {  	_ =	strace s4  }
0x96: {  	s4 =	sld [smem:$0x3FFD];
	_ =	sdelay $0x3  }
0x97: {  	_ =	strace s4  }
0x98: {  	_ =	strace $0x8FFFFFFF  }
0x99: {  	s19 =	sld [smem:$0x3FDB];
	_ =	sdelay $0x1  }
0x9a: {  	s5 =	simm.s32 $_scs_section_size  }
0x9b: {  	s6 =	simm.s32 $_size__tile_overlayer_lowered;
	s7 =	simm.s32 $_tile_overlayer_lowered  }
0x9c: {  	s22 =	simm.s32 $0x1BFF;
	s21 =	sshll.u32 s7, $0x1;
	s4 =	sadd.s32 s5, s19  }
0x9d: {  	s8 =	simm.s32 $0x0;
	s20 =	sshll.u32 s6, $0x1;
	s6 =	sadd.s32 s21, s4  }
0x9e: {  	[timem:s8], [sflag:s22] =	dma.local [hbm:s6], s20  }
0x9f: {  	_ =	swait.ge [sflag:s22], s20  }
0xa0: {  	s5 =	ssub.s32 $0x0, s20;
	[sflag:s22] =	ssyncset.done $0x0  }
0xa1: {  	[sflag:s22] =	ssyncadd.s32 s5;
	_ =	sdelay $0x1  }
0xa2: {  	s23 =	simm.s32 $0x1B8B  }
0xa3: {  	_ =	swait.ge [sflag:s23], $0x1  }
0xa4: {  	[sflag:s23] =	ssyncset.done $0x0  }
0xa5: {  	s25 =	simm.s32 $0x1B8E;
	s24 =	sld [smem:$0x3FFE];
	[sflag:s23] =	ssyncadd.s32 $0xFFFFFFFF  }
0xa6: {  	s26 =	simm.s32 $execute0_lowered;
	[smem:$0x3FD2] =	sst s25  }
0xa7: {  	s6 =	sshll.u32 s26, $0x1;
	_ =	strace $0x80000046;
	[dreg:$0x1] =	wrdreg $0xFFFFFFFF  }
0xa8: {  	s28 =	simm.s32 $_size_execute0_lowered;
	s4 =	sadd.s32 s4, s6;
	[dreg:$0x0] =	wrdreg $0x0  }
0xa9: {  	s6 =	sshll.u32 s28, $0x1;
	[dreg:$0x2] =	wrdreg s4  }
0xaa: {  	[dreg:$0x3] =	wrdreg s6  }
0xab: {  	[dreg:$0x4] =	wrdreg $0xC0  }
0xac: {  	_ =	task [dreg:s8], $0x5FFFF  }
0xad: {  	[dreg:$0x1] =	wrdreg $0xFFFFFFFF  }
0xae: {  	[dreg:$0x0] =	wrdreg $0x60  }
0xaf: {  	[dreg:$0x2] =	wrdreg s2  }
0xb0: {  	[dreg:$0x3] =	wrdreg s18  }
0xb1: {  	[dreg:$0x4] =	wrdreg s24  }
0xb2: {  	[dreg:$0x5] =	wrdreg $0x9  }
0xb3: {  	_ =	task.clear_ibuf [dreg:s8], $0x6FFFF;
	_ =	strace $0x90000046  }
0xb4: {  	s29 =	simm.s32 $0x9;
	_ =	strace $0x80000048  }
0xb5: {  	_ =	swait.ge [sflag:s29], $0x1  }
0xb6: {  	[sflag:s29] =	ssyncadd.s32 $0xFFFFFFFF  }
0xb7: {  	_ =	strace $0x90000048  }
0xb8: {  	_ =	sfence  }
0xb9: {  	s30 =	sld [smem:$0x0];
	_ =	sdelay $0x2  }
0xba: {  	s31 =	sshll.u32 s1, $0xD;
	s1 =	sshrl.u32 s1, $0x2  }
0xbb: {  	s3 =	sand.u32 $0x4000, s31;
	s1 =	sadd.s32 s1, s30  }
0xbc: {  	s0 =	sor.u32 s3, s0;
	s1 =	sshll.u32 s1, $0x11  }
0xbd: {  	s0 =	sor.u32 s1, s0  }
0xbe: {  	s0 =	sadd.s32 $0x8F2B, s0  }
0xbf: {  	[sflag:s0] =	ssyncadd.remote.s32 $0x1  }
0xc0: {  	_ =	sfence.sel $0xFFFF  }
0xc1: {  	[dreg:$0x0] =	wrdreg $0xFFFFFFFF;
	(pc) =	sbr.abs _section_cstart, $3  }
0xc2: {  	[dreg:$0x1] =	wrdreg $0xFFFFFFFF  }
0xc3: {  	_ =	task.clear_ibuf [dreg:s8], $0x2FFFF;
	_ =	strace $0x9FFFFFFF  }
0xc4: {  	(tm) =	ssettm $0x7FFFFFFF  }
0xc5: {  	_ =	shalt  }
tec
execute0_lowered:
.L_overlay_start_1:
0x0: {  	(tag) =	ssettag $0x1  }
0x1: {  	s1 =	rddreg [dreg:$0x0]  }
0x2: {  	s3 =	rddreg [dreg:$0x1]  }
0x3: {  	s0 =	srdreg.scid;
	s4 =	stileid.u32  }
0x4: {  	s2 =	rddreg [dreg:$0x2];
	s16 =	simm.s32 $0x9;
	s21 =	simm.s32 $0x80  }
0x5: {  	s22 =	simm.s32 $0x400;
	s18 =	simm.s32 $0x6100;
	s19 =	simm.s32 $0x6900  }
0x6: {  	s20 =	simm.s32 $0x7100;
	s23 =	simm.s32 $0x7900;
	s24 =	simm.s32 $0xE100  }
0x7: {  	s25 =	simm.s32 $0x1;
	s28 =	simm.s32 $0x2;
	s29 =	simm.s32 $0x6  }
0x8: {  	s30 =	simm.s32 $0x3;
	s31 =	simm.s32 $0x7;
	s17 =	simm.s32 $0x0  }
0x9: {  	s0 =	sand.u32 $0x1, s0;
	s5 =	sshll.u32 s4, $0x1;
	s4 =	simm.s32 $0x0  }
0xa: {  	s6 =	sor.u32 s0, s5;
	[smem:$0x7FF] =	sst s4;
	s0 =	ssub.s32 $0x2, s0  }
0xb: {  	s5 =	smul.u32 $0xC00, s6;
	s7 =	sshll.u32 s6, $0x5;
	s8 =	sshrl.u32 s0, $0x1  }
0xc: {  	_ =	strace $0x80000047;
	s7 =	sadd.s32 s7, s2;
	s0 =	ssub.s32 s0, s8  }
0xd: {  	s2 =	sadd.s32 s5, s2;
	s5 =	sshll.u32 s6, $0x6;
	s7 =	sadd.s32 $0x600, s7  }
0xe: {  	s6 =	sshll.u32 s6, $0x10;
	s0 =	smax.u32 s0, $0x1;
	[dreg:$0x4] =	wrdreg s7  }
0xf: {  	s10 =	sadd.s32 $0x1800, s3;
	s6 =	sadd.s32 s1, s6;
	[dreg:$0xa] =	wrdreg s0  }
.Ltmp0:
0x10: {  	s2 =	sadd.s32 $0xA00, s2;
	[dreg:$0x5] =	wrdreg s6;
	(pc) =	sbr.rel .LBB2_1-.Ltmp0, $4  }
0x11: {  	s8 =	sadd.s32 $0x1000, s3;
	s9 =	sadd.s32 $0x10, s6;
	[dreg:$0x9] =	wrdreg s2  }
0x12: {  	s7 =	sadd.s32 $0x800, s3;
	s26 =	sadd.s32 $0x20, s6;
	[dreg:$0x6] =	wrdreg s9  }
0x13: {  	v1 =	vlaneseq.u32;
	s0 =	simm.s32 $0x8;
	s6 =	sadd.s32 $0x30, s6;
	[dreg:$0x7] =	wrdreg s26  }
0x14: {  	v0 =	vimm.s32 $0x0;
	vm0 =	vmmov $0xffff;
	v1 =	vmul.u32 $0x8, v1;
	s2 =	simm.s32 $0x4;
	[dreg:$0x8] =	wrdreg s6;
	s26 =	simm.s32 $0x5  }
.LBB2_12:
0x15: {  	s6 =	rddreg [dreg:$0x9];
	s9 =	simm.s32 $0x10100  }
0x16: {  	[hbm4b:s6+s4] =	stream.linear.scatter [tilespmem:s9], [sflag:$0x9], $0x6000, $0x38;
	[tilespmem:$0x16100] =	vst v63  }
0x17: {  	_ =	swait.ge [sflag:s16], $0x6000  }
0x18: {  	s17 =	sadd.s32 $0x1, s17;
	s15 =	rddreg [dreg:$0xa]  }
0x19: {  	p0 =	sne.s32 s17, s15  }
.Ltmp1:
0x1a: {  	_ = 	snop;
	(pc) =	sbr.rel @!p0 .LBB2_13-.Ltmp1, $3  }
0x1b: {  	_ =	sdelay $0x1  }
0x1c: {  	[sflag:s16] =	ssyncset.done $0x0  }
0x1d: {  	[sflag:s16] =	ssyncadd.s32 $0xFFFFA000  }
.LBB2_1:
0x1e: {  	s6 =	rddreg [dreg:$0x4]  }
0x1f: {  	[tilespmem:s4], [sflag:$0x9] =	stream.linear.gather [hbm4b:s6+s4], $0x100, $0x38;
	[tilespmem:$0x16100] =	vst v63  }
0x20: {  	_ =	swait.ge [sflag:s16], $0x100  }
0x21: {  	[sflag:s16] =	ssyncset.done $0x0  }
0x22: {  	[sflag:s16] =	ssyncadd.s32 $0xFFFFFF00  }
0x23: {  	v2 =	vld.msk [tilespmem:$0x0], $0x1;
	_ =	sdelay $0x4  }
0x24: {  	v3 =	vshll.u32 v2, $0x6  }
0x25: {  	v2 =	vand.u32 $0x7, v2;
	v3 =	vand.u32 $0xFFFFFE00, v3  }
0x26: {  	v2 =	vor.u32 v2, v3  }
0x27: {  	v2 =	vperm.xlane v2, v0;
	_ =	sdelay $0x1  }
0x28: {  	v2 =	vadd.s32 v1, v2;
	_ =	sdelay $0x3  }
0x29: {  	s9 =	simm.s32 $0x100  }
0x2a: {  	[tilespmem:s9], [sflag:$0x1] =	stream.indirect_vreg.gather [hbm4b:s3+s4], $0x80, v2, vm0, $0xb8;
	[tilespmem:$0x16100] =	vst v63  }
0x2b: {  	s11 =	simm.s32 $0x900  }
0x2c: {  	[tilespmem:s11], [sflag:$0x1] =	stream.indirect_vreg.gather [hbm4b:s7+s4], $0x80, v2, vm0, $0xb8;
	[tilespmem:$0x16100] =	vst v63  }
0x2d: {  	s12 =	simm.s32 $0x1100  }
0x2e: {  	[tilespmem:s12], [sflag:$0x1] =	stream.indirect_vreg.gather [hbm4b:s8+s4], $0x80, v2, vm0, $0xb8;
	[tilespmem:$0x16100] =	vst v63  }
0x2f: {  	s13 =	simm.s32 $0x1900  }
0x30: {  	[tilespmem:s13], [sflag:$0x1] =	stream.indirect_vreg.gather [hbm4b:s10+s4], $0x80, v2, vm0, $0xb8;
	[tilespmem:$0x16100] =	vst v63  }
0x31: {  	s14 =	rddreg [dreg:$0x5];
	s9 =	simm.s32 $0x8100  }
0x32: {  	[tilespmem:s9], [sflag:$0x5] =	stream.strided.gather [hbm4b:s14+s21], $0x2000, s22, s21, $0x38;
	[tilespmem:$0x16100] =	vst v63  }
0x33: {  	v2 =	vld.msk [tilespmem:$0x1], $0x1;
	_ =	sdelay $0x4  }
0x34: {  	v3 =	vshll.u32 v2, $0x6  }
0x35: {  	v2 =	vand.u32 $0x7, v2;
	v3 =	vand.u32 $0xFFFFFE00, v3  }
0x36: {  	v2 =	vor.u32 v2, v3  }
0x37: {  	v2 =	vperm.xlane v2, v0;
	_ =	sdelay $0x1  }
0x38: {  	v2 =	vadd.s32 v1, v2;
	_ =	sdelay $0x3  }
0x39: {  	s15 =	simm.s32 $0x2100  }
0x3a: {  	[tilespmem:s15], [sflag:$0x2] =	stream.indirect_vreg.gather [hbm4b:s3+s4], $0x80, v2, vm0, $0xb8;
	[tilespmem:$0x16100] =	vst v63  }
0x3b: {  	s9 =	simm.s32 $0x2900  }
0x3c: {  	[tilespmem:s9], [sflag:$0x2] =	stream.indirect_vreg.gather [hbm4b:s7+s4], $0x80, v2, vm0, $0xb8;
	[tilespmem:$0x16100] =	vst v63  }
0x3d: {  	s11 =	simm.s32 $0x3100  }
0x3e: {  	[tilespmem:s11], [sflag:$0x2] =	stream.indirect_vreg.gather [hbm4b:s8+s4], $0x80, v2, vm0, $0xb8;
	[tilespmem:$0x16100] =	vst v63  }
0x3f: {  	s12 =	simm.s32 $0x3900  }
0x40: {  	[tilespmem:s12], [sflag:$0x2] =	stream.indirect_vreg.gather [hbm4b:s10+s4], $0x80, v2, vm0, $0xb8;
	[tilespmem:$0x16100] =	vst v63  }
0x41: {  	s13 =	rddreg [dreg:$0x6];
	s14 =	simm.s32 $0xA100  }
0x42: {  	[tilespmem:s14], [sflag:$0x6] =	stream.strided.gather [hbm4b:s13+s21], $0x2000, s22, s21, $0x38;
	[tilespmem:$0x16100] =	vst v63  }
0x43: {  	v2 =	vld.msk [tilespmem:$0x2], $0x1;
	_ =	sdelay $0x4  }
0x44: {  	v3 =	vshll.u32 v2, $0x6  }
0x45: {  	v2 =	vand.u32 $0x7, v2;
	v3 =	vand.u32 $0xFFFFFE00, v3  }
0x46: {  	v2 =	vor.u32 v2, v3  }
0x47: {  	v2 =	vperm.xlane v2, v0;
	_ =	sdelay $0x1  }
0x48: {  	v2 =	vadd.s32 v1, v2;
	_ =	sdelay $0x3  }
0x49: {  	s15 =	simm.s32 $0x4100  }
0x4a: {  	[tilespmem:s15], [sflag:$0x3] =	stream.indirect_vreg.gather [hbm4b:s3+s4], $0x80, v2, vm0, $0xb8;
	[tilespmem:$0x16100] =	vst v63  }
0x4b: {  	s9 =	simm.s32 $0x4900  }
0x4c: {  	[tilespmem:s9], [sflag:$0x3] =	stream.indirect_vreg.gather [hbm4b:s7+s4], $0x80, v2, vm0, $0xb8;
	[tilespmem:$0x16100] =	vst v63  }
0x4d: {  	s11 =	simm.s32 $0x5100  }
0x4e: {  	[tilespmem:s11], [sflag:$0x3] =	stream.indirect_vreg.gather [hbm4b:s8+s4], $0x80, v2, vm0, $0xb8;
	[tilespmem:$0x16100] =	vst v63  }
0x4f: {  	s12 =	simm.s32 $0x5900  }
0x50: {  	[tilespmem:s12], [sflag:$0x3] =	stream.indirect_vreg.gather [hbm4b:s10+s4], $0x80, v2, vm0, $0xb8;
	[tilespmem:$0x16100] =	vst v63  }
0x51: {  	s13 =	rddreg [dreg:$0x7];
	s14 =	simm.s32 $0xC100  }
0x52: {  	[tilespmem:s14], [sflag:$0x7] =	stream.strided.gather [hbm4b:s13+s21], $0x2000, s22, s21, $0x38;
	[tilespmem:$0x16100] =	vst v63  }
0x53: {  	v2 =	vld.msk [tilespmem:$0x3], $0x1;
	_ =	sdelay $0x4  }
0x54: {  	v3 =	vshll.u32 v2, $0x6  }
0x55: {  	v2 =	vand.u32 $0x7, v2;
	v3 =	vand.u32 $0xFFFFFE00, v3  }
0x56: {  	v2 =	vor.u32 v2, v3  }
0x57: {  	v2 =	vperm.xlane v2, v0;
	_ =	sdelay $0x1  }
0x58: {  	v2 =	vadd.s32 v1, v2;
	_ =	sdelay $0x4  }
0x59: {  	[tilespmem:s18], [sflag:$0x4] =	stream.indirect_vreg.gather [hbm4b:s3+s4], $0x80, v2, vm0, $0xb8;
	[tilespmem:$0x16100] =	vst v63  }
0x5a: {  	_ = 	snop  }
0x5b: {  	[tilespmem:s19], [sflag:$0x4] =	stream.indirect_vreg.gather [hbm4b:s7+s4], $0x80, v2, vm0, $0xb8;
	[tilespmem:$0x16100] =	vst v63  }
0x5c: {  	_ = 	snop  }
0x5d: {  	[tilespmem:s20], [sflag:$0x4] =	stream.indirect_vreg.gather [hbm4b:s8+s4], $0x80, v2, vm0, $0xb8;
	[tilespmem:$0x16100] =	vst v63  }
0x5e: {  	_ = 	snop  }
0x5f: {  	[tilespmem:s23], [sflag:$0x4] =	stream.indirect_vreg.gather [hbm4b:s10+s4], $0x80, v2, vm0, $0xb8;
	[tilespmem:$0x16100] =	vst v63  }
0x60: {  	s6 =	simm.s32 $0x0;
	s15 =	rddreg [dreg:$0x8]  }
0x61: {  	[tilespmem:s24], [sflag:$0x8] =	stream.strided.gather [hbm4b:s15+s21], $0x2000, s22, s21, $0x38;
	[tilespmem:$0x16100] =	vst v63  }
.LBB2_2:
0x62: {  	_ =	swait.ge [sflag:s25], $0x2000  }
0x63: {  	[sflag:s25] =	ssyncset.done $0x0  }
0x64: {  	[sflag:s25] =	ssyncadd.s32 $0xFFFFE000  }
0x65: {  	_ =	swait.ge [sflag:s26], $0x2000  }
0x66: {  	[sflag:s26] =	ssyncset.done $0x0  }
0x67: {  	s12 =	simm.s32 $0x8140;
	[sflag:s26] =	ssyncadd.s32 $0xFFFFE000  }
0x68: {  	s11 =	simm.s32 $0x140;
	v2 =	vld [tilespmem:s12+$0xFFFFFFC0]  }
0x69: {  	v3 =	vld [tilespmem:s11+$0xFFFFFFC0]  }
0x6a: {  	v4 =	vld [tilespmem:s12+$0xFFFFFFD0]  }
0x6b: {  	v5 =	vld [tilespmem:s11+$0xFFFFFFD0]  }
0x6c: {  	v6 =	vld [tilespmem:s12+$0xFFFFFFE0]  }
0x6d: {  	v7 =	vld [tilespmem:s11+$0xFFFFFFE0]  }
0x6e: {  	v9 =	vld [tilespmem:s12+$0xFFFFFFF0];
	v8 =	vmul.f32 v3, v2  }
0x6f: {  	v10 =	vimm.f32 $0.0e+00;
	v11 =	vld [tilespmem:s11+$0xFFFFFFF0];
	v2 =	vmul.f32 v2, v2;
	v3 =	vmul.f32 v3, v3  }
0x70: {  	v13 =	vld [tilespmem:s12+$0x0];
	v12 =	vmul.f32 v5, v4;
	v4 =	vmul.f32 v4, v4;
	v8 =	vadd.f32 v8, v10  }
0x71: {  	v15 =	vld [tilespmem:s11+$0x0];
	v5 =	vmul.f32 v5, v5;
	v14 =	vadd.f32 v2, v10;
	v3 =	vadd.f32 v3, v10  }
0x72: {  	v10 =	vmul.f32 v7, v6;
	v6 =	vmul.f32 v6, v6;
	v2 =	vld [tilespmem:s12+$0x10];
	v8 =	vadd.f32 v12, v8  }
0x73: {  	v7 =	vmul.f32 v7, v7;
	v12 =	vadd.f32 v4, v14;
	v5 =	vadd.f32 v5, v3;
	v3 =	vld [tilespmem:s11+$0x10]  }
0x74: {  	v14 =	vmul.f32 v9, v9;
	v4 =	vld [tilespmem:s12+$0x20];
	v8 =	vadd.f32 v10, v8;
	v10 =	vmul.f32 v11, v9  }
0x75: {  	v16 =	vadd.f32 v6, v12;
	v7 =	vadd.f32 v7, v5;
	v11 =	vmul.f32 v11, v11;
	v5 =	vld [tilespmem:s11+$0x20]  }
0x76: {  	v12 =	vmul.f32 v15, v13;
	v6 =	vld [tilespmem:s12+$0x30];
	v9 =	vadd.f32 v10, v8;
	v8 =	vmul.f32 v13, v13  }
0x77: {  	s13 =	simm.s32 $0x81C0;
	s12 =	simm.s32 $0x0;
	v10 =	vadd.f32 v14, v16;
	v11 =	vadd.f32 v11, v7;
	v13 =	vmul.f32 v15, v15;
	v7 =	vld [tilespmem:s11+$0x30]  }
.LBB2_3:
0x78: {  	v14 =	vld [tilespmem:s13+$0xFFFFFFC0];
	v9 =	vadd.f32 v12, v9;
	v12 =	vmul.f32 v3, v2;
	v2 =	vmul.f32 v2, v2;
	s11 =	sadd.s32 $0x80, s11  }
0x79: {  	v3 =	vmul.f32 v3, v3;
	v15 =	vld [tilespmem:s11+$0xFFFFFFC0];
	v8 =	vadd.f32 v8, v10;
	v10 =	vadd.f32 v13, v11  }
0x7a: {  	s12 =	sadd.s32 $0x8, s12;
	v11 =	vld [tilespmem:s13+$0xFFFFFFD0];
	v9 =	vadd.f32 v12, v9;
	v12 =	vmul.f32 v5, v4;
	v4 =	vmul.f32 v4, v4  }
0x7b: {  	p0 =	slt.u32 s12, $0x1F8;
	v5 =	vmul.f32 v5, v5;
	v13 =	vld [tilespmem:s11+$0xFFFFFFD0];
	v2 =	vadd.f32 v2, v8;
	v3 =	vadd.f32 v3, v10  }
0x7c: {  	v8 =	vld [tilespmem:s13+$0xFFFFFFE0];
	v9 =	vadd.f32 v12, v9;
	v10 =	vmul.f32 v7, v6;
	v6 =	vmul.f32 v6, v6  }
0x7d: {  	v12 =	vld [tilespmem:s11+$0xFFFFFFE0];
	v2 =	vadd.f32 v4, v2;
	v3 =	vadd.f32 v5, v3;
	v4 =	vmul.f32 v7, v7  }
0x7e: {  	v7 =	vmul.f32 v14, v14;
	v5 =	vmul.f32 v15, v14;
	v14 =	vld [tilespmem:s13+$0xFFFFFFF0];
	v9 =	vadd.f32 v10, v9  }
0x7f: {  	v10 =	vmul.f32 v15, v15;
	v15 =	vld [tilespmem:s11+$0xFFFFFFF0];
	v2 =	vadd.f32 v6, v2;
	v3 =	vadd.f32 v4, v3  }
0x80: {  	v6 =	vmul.f32 v11, v11;
	v4 =	vadd.f32 v5, v9;
	v5 =	vmul.f32 v13, v11;
	v11 =	vld [tilespmem:s13+$0x0]  }
0x81: {  	v9 =	vmul.f32 v13, v13;
	v7 =	vadd.f32 v7, v2;
	v3 =	vadd.f32 v10, v3;
	v13 =	vld [tilespmem:s11+$0x0]  }
0x82: {  	v4 =	vadd.f32 v5, v4;
	v5 =	vmul.f32 v12, v8;
	v8 =	vmul.f32 v8, v8;
	v2 =	vld [tilespmem:s13+$0x10]  }
.Ltmp2:
0x83: {  	v6 =	vadd.f32 v6, v7;
	v7 =	vadd.f32 v9, v3;
	v9 =	vmul.f32 v12, v12;
	v3 =	vld [tilespmem:s11+$0x10];
	(pc) =	sbr.rel @p0 .LBB2_3-.Ltmp2, $4  }
0x84: {  	v10 =	vadd.f32 v5, v4;
	v12 =	vmul.f32 v15, v14;
	v14 =	vmul.f32 v14, v14;
	v4 =	vld [tilespmem:s13+$0x20]  }
0x85: {  	v15 =	vmul.f32 v15, v15;
	v16 =	vadd.f32 v8, v6;
	v7 =	vadd.f32 v9, v7;
	v5 =	vld [tilespmem:s11+$0x20]  }
0x86: {  	v8 =	vmul.f32 v11, v11;
	v9 =	vadd.f32 v12, v10;
	v12 =	vmul.f32 v13, v11;
	v6 =	vld [tilespmem:s13+$0x30]  }
0x87: {  	v13 =	vmul.f32 v13, v13;
	s13 =	sadd.s32 $0x80, s13;
	v10 =	vadd.f32 v14, v16;
	v11 =	vadd.f32 v15, v7;
	v7 =	vld [tilespmem:s11+$0x30]  }
0x88: {  	v9 =	vadd.f32 v12, v9;
	v12 =	vmul.f32 v3, v2  }
0x89: {  	v2 =	vmul.f32 v2, v2;
	v3 =	vmul.f32 v3, v3;
	v8 =	vadd.f32 v8, v10  }
0x8a: {  	v10 =	vadd.f32 v13, v11;
	v9 =	vadd.f32 v12, v9;
	v11 =	vmul.f32 v5, v4  }
0x8b: {  	v4 =	vmul.f32 v4, v4;
	v5 =	vmul.f32 v5, v5;
	v2 =	vadd.f32 v2, v8  }
0x8c: {  	v3 =	vadd.f32 v3, v10;
	v8 =	vadd.f32 v11, v9;
	v9 =	vmul.f32 v7, v6  }
0x8d: {  	v6 =	vmul.f32 v6, v6;
	v2 =	vadd.f32 v4, v2  }
0x8e: {  	s11 =	sshll.u32 s6, $0x2;
	s12 =	sshll.u32 s6, $0x9;
	p0 =	seq.s32 s6, $0xF;
	v3 =	vadd.f32 v5, v3;
	v4 =	vmul.f32 v7, v7;
	v5 =	vadd.f32 v9, v8  }
0x8f: {  	s12 =	sand.u32 $0x3FFFFE00, s12;
	s13 =	sadd.s32 @!p0 $0x4, s11;
	v2 =	vadd.f32 v6, v2  }
0x90: {  	s14 =	sshll.u32 @!p0 s13, $0x2;
	v3 =	vadd.f32 v4, v3;
	[tilespmem:s12+$0x10100] =	vst v5  }
0x91: {  	s15 =	sand.u32 @!p0 $0x1C, s13;
	s14 =	sand.u32 @!p0 $0x180, s14;
	[tilespmem:s12+$0x12100] =	vst v2  }
0x92: {  	s14 =	sor.u32 @!p0 s15, s14;
	[tilespmem:s12+$0x14100] =	vst v3  }
0x93: {  	v2 =	vld.msk @!p0 [tilespmem:s14+$0x0], $0x1;
	_ =	sdelay $0x4  }
0x94: {  	v3 =	vshll.u32 @!p0 v2, $0x6  }
0x95: {  	v2 =	vand.u32 @!p0 $0x7, v2;
	v3 =	vand.u32 @!p0 $0xFFFFFE00, v3  }
0x96: {  	v4 =	vlaneseq.u32 @!p0;
	v2 =	vor.u32 @!p0 v2, v3;
	v3 =	vimm.s32 @!p0 $0x0  }
0x97: {  	v2 =	vperm.xlane @!p0 v2, v3;
	v3 =	vmul.u32 @!p0 $0x8, v4;
	_ =	sdelay $0x1  }
0x98: {  	v2 =	vadd.s32 @!p0 v3, v2;
	_ =	sdelay $0x3  }
0x99: {  	vm1 =	vmmov @!p0 $0xffff;
	s15 =	simm.s32 @!p0 $0x100;
	s14 =	simm.s32 @!p0 $0x0  }
0x9a: {  	[tilespmem:s15], [sflag:$0x1] =	stream.indirect_vreg.gather @!p0 [hbm4b:s3+s14], $0x80, v2, vm1, $0xb8;
	[tilespmem:$0x16100] =	vst v63  }
0x9b: {  	s15 =	simm.s32 @!p0 $0x900  }
0x9c: {  	[tilespmem:s15], [sflag:$0x1] =	stream.indirect_vreg.gather @!p0 [hbm4b:s7+s14], $0x80, v2, vm1, $0xb8;
	[tilespmem:$0x16100] =	vst v63  }
0x9d: {  	s15 =	simm.s32 @!p0 $0x1100  }
0x9e: {  	[tilespmem:s15], [sflag:$0x1] =	stream.indirect_vreg.gather @!p0 [hbm4b:s8+s14], $0x80, v2, vm1, $0xb8;
	[tilespmem:$0x16100] =	vst v63  }
0x9f: {  	s15 =	simm.s32 @!p0 $0x1900  }
0xa0: {  	[tilespmem:s15], [sflag:$0x1] =	stream.indirect_vreg.gather @!p0 [hbm4b:s10+s14], $0x80, v2, vm1, $0xb8;
	[tilespmem:$0x16100] =	vst v63  }
0xa1: {  	s14 =	sshll.u32 @!p0 s13, $0x4;
	s13 =	sadd.s32 @!p0 s5, s13  }
0xa2: {  	s13 =	sshll.u32 @!p0 s13, $0xA;
	s14 =	sand.u32 @!p0 $0x40, s14  }
0xa3: {  	s9 =	simm.s32 @!p0 $0x8100;
	s13 =	sand.u32 @!p0 $0xFFFE000, s13;
	s14 =	sadd.s32 @!p0 s1, s14  }
0xa4: {  	s15 =	simm.s32 @!p0 $0x400;
	s13 =	sadd.s32 @!p0 s13, s14;
	s14 =	simm.s32 @!p0 $0x80  }
0xa5: {  	[tilespmem:s9], [sflag:$0x5] =	stream.strided.gather @!p0 [hbm4b:s13+s14], $0x2000, s15, s14, $0x38;
	[tilespmem:$0x16100] =	vst v63  }
0xa6: {  	_ =	swait.ge [sflag:s28], $0x2000  }
0xa7: {  	[sflag:s28] =	ssyncset.done $0x0  }
0xa8: {  	[sflag:s28] =	ssyncadd.s32 $0xFFFFE000  }
0xa9: {  	_ =	swait.ge [sflag:s29], $0x2000  }
0xaa: {  	[sflag:s29] =	ssyncset.done $0x0  }
0xab: {  	s15 =	simm.s32 $0xA170;
	[sflag:s29] =	ssyncadd.s32 $0xFFFFE000  }
0xac: {  	s13 =	simm.s32 $0x2170;
	v2 =	vld [tilespmem:s15+$0xFFFFFF90]  }
0xad: {  	v3 =	vld [tilespmem:s13+$0xFFFFFF90]  }
0xae: {  	v4 =	vld [tilespmem:s15+$0xFFFFFFA0]  }
0xaf: {  	v5 =	vld [tilespmem:s13+$0xFFFFFFA0]  }
0xb0: {  	v6 =	vld [tilespmem:s15+$0xFFFFFFB0]  }
0xb1: {  	v7 =	vld [tilespmem:s13+$0xFFFFFFB0]  }
0xb2: {  	v9 =	vld [tilespmem:s15+$0xFFFFFFC0];
	v8 =	vmul.f32 v3, v2  }
0xb3: {  	v10 =	vimm.f32 $0.0e+00;
	v11 =	vld [tilespmem:s13+$0xFFFFFFC0];
	v2 =	vmul.f32 v2, v2;
	v3 =	vmul.f32 v3, v3  }
0xb4: {  	v13 =	vld [tilespmem:s15+$0xFFFFFFD0];
	v12 =	vmul.f32 v5, v4;
	v4 =	vmul.f32 v4, v4;
	v8 =	vadd.f32 v8, v10  }
0xb5: {  	v15 =	vld [tilespmem:s13+$0xFFFFFFD0];
	v5 =	vmul.f32 v5, v5;
	v14 =	vadd.f32 v2, v10;
	v3 =	vadd.f32 v3, v10  }
0xb6: {  	v10 =	vmul.f32 v7, v6;
	v6 =	vmul.f32 v6, v6;
	v2 =	vld [tilespmem:s15+$0xFFFFFFE0];
	v8 =	vadd.f32 v12, v8  }
0xb7: {  	v7 =	vmul.f32 v7, v7;
	v12 =	vadd.f32 v4, v14;
	v5 =	vadd.f32 v5, v3;
	v3 =	vld [tilespmem:s13+$0xFFFFFFE0]  }
0xb8: {  	v14 =	vmul.f32 v9, v9;
	v4 =	vld [tilespmem:s15+$0xFFFFFFF0];
	v8 =	vadd.f32 v10, v8;
	v10 =	vmul.f32 v11, v9  }
0xb9: {  	v16 =	vadd.f32 v6, v12;
	v7 =	vadd.f32 v7, v5;
	v11 =	vmul.f32 v11, v11;
	v5 =	vld [tilespmem:s13+$0xFFFFFFF0]  }
0xba: {  	v12 =	vmul.f32 v15, v13;
	v6 =	vld [tilespmem:s15+$0x0];
	v9 =	vadd.f32 v10, v8;
	v8 =	vmul.f32 v13, v13  }
0xbb: {  	s14 =	simm.s32 $0x0;
	s15 =	simm.s32 $0xA1F0;
	v10 =	vadd.f32 v14, v16;
	v11 =	vadd.f32 v11, v7;
	v13 =	vmul.f32 v15, v15;
	v7 =	vld [tilespmem:s13+$0x0]  }
.LBB2_5:
0xbc: {  	v14 =	vld [tilespmem:s15+$0xFFFFFF90];
	v9 =	vadd.f32 v12, v9;
	v12 =	vmul.f32 v3, v2;
	v2 =	vmul.f32 v2, v2;
	s13 =	sadd.s32 $0x80, s13  }
0xbd: {  	v3 =	vmul.f32 v3, v3;
	v15 =	vld [tilespmem:s13+$0xFFFFFF90];
	v8 =	vadd.f32 v8, v10;
	v10 =	vadd.f32 v13, v11  }
0xbe: {  	s14 =	sadd.s32 $0x8, s14;
	v11 =	vld [tilespmem:s15+$0xFFFFFFA0];
	v9 =	vadd.f32 v12, v9;
	v12 =	vmul.f32 v5, v4;
	v4 =	vmul.f32 v4, v4  }
0xbf: {  	p1 =	slt.u32 s14, $0x1F8;
	v5 =	vmul.f32 v5, v5;
	v13 =	vld [tilespmem:s13+$0xFFFFFFA0];
	v2 =	vadd.f32 v2, v8;
	v3 =	vadd.f32 v3, v10  }
0xc0: {  	v8 =	vld [tilespmem:s15+$0xFFFFFFB0];
	v9 =	vadd.f32 v12, v9;
	v10 =	vmul.f32 v7, v6;
	v6 =	vmul.f32 v6, v6  }
0xc1: {  	v12 =	vld [tilespmem:s13+$0xFFFFFFB0];
	v2 =	vadd.f32 v4, v2;
	v3 =	vadd.f32 v5, v3;
	v4 =	vmul.f32 v7, v7  }
0xc2: {  	v7 =	vmul.f32 v14, v14;
	v5 =	vmul.f32 v15, v14;
	v14 =	vld [tilespmem:s15+$0xFFFFFFC0];
	v9 =	vadd.f32 v10, v9  }
0xc3: {  	v10 =	vmul.f32 v15, v15;
	v15 =	vld [tilespmem:s13+$0xFFFFFFC0];
	v2 =	vadd.f32 v6, v2;
	v3 =	vadd.f32 v4, v3  }
0xc4: {  	v6 =	vmul.f32 v11, v11;
	v4 =	vadd.f32 v5, v9;
	v5 =	vmul.f32 v13, v11;
	v11 =	vld [tilespmem:s15+$0xFFFFFFD0]  }
0xc5: {  	v9 =	vmul.f32 v13, v13;
	v7 =	vadd.f32 v7, v2;
	v3 =	vadd.f32 v10, v3;
	v13 =	vld [tilespmem:s13+$0xFFFFFFD0]  }
0xc6: {  	v4 =	vadd.f32 v5, v4;
	v5 =	vmul.f32 v12, v8;
	v8 =	vmul.f32 v8, v8;
	v2 =	vld [tilespmem:s15+$0xFFFFFFE0]  }
.Ltmp3:
0xc7: {  	v6 =	vadd.f32 v6, v7;
	v7 =	vadd.f32 v9, v3;
	v9 =	vmul.f32 v12, v12;
	v3 =	vld [tilespmem:s13+$0xFFFFFFE0];
	(pc) =	sbr.rel @p1 .LBB2_5-.Ltmp3, $4  }
0xc8: {  	v10 =	vadd.f32 v5, v4;
	v12 =	vmul.f32 v15, v14;
	v14 =	vmul.f32 v14, v14;
	v4 =	vld [tilespmem:s15+$0xFFFFFFF0]  }
0xc9: {  	v15 =	vmul.f32 v15, v15;
	v16 =	vadd.f32 v8, v6;
	v7 =	vadd.f32 v9, v7;
	v5 =	vld [tilespmem:s13+$0xFFFFFFF0]  }
0xca: {  	v8 =	vmul.f32 v11, v11;
	v9 =	vadd.f32 v12, v10;
	v12 =	vmul.f32 v13, v11;
	v6 =	vld [tilespmem:s15+$0x0]  }
0xcb: {  	v13 =	vmul.f32 v13, v13;
	s15 =	sadd.s32 $0x80, s15;
	v10 =	vadd.f32 v14, v16;
	v11 =	vadd.f32 v15, v7;
	v7 =	vld [tilespmem:s13+$0x0]  }
0xcc: {  	v9 =	vadd.f32 v12, v9;
	v12 =	vmul.f32 v3, v2  }
0xcd: {  	v2 =	vmul.f32 v2, v2;
	v3 =	vmul.f32 v3, v3;
	v8 =	vadd.f32 v8, v10  }
0xce: {  	v10 =	vadd.f32 v13, v11;
	v9 =	vadd.f32 v12, v9;
	v11 =	vmul.f32 v5, v4  }
0xcf: {  	v4 =	vmul.f32 v4, v4;
	v5 =	vmul.f32 v5, v5;
	v2 =	vadd.f32 v2, v8  }
0xd0: {  	v3 =	vadd.f32 v3, v10;
	v8 =	vadd.f32 v11, v9;
	v9 =	vmul.f32 v7, v6  }
0xd1: {  	v6 =	vmul.f32 v6, v6;
	v2 =	vadd.f32 v4, v2  }
0xd2: {  	v3 =	vadd.f32 v5, v3;
	v4 =	vmul.f32 v7, v7;
	v5 =	vadd.f32 v9, v8  }
0xd3: {  	s9 =	sadd.s32 @!p0 $0x5, s11;
	v2 =	vadd.f32 v6, v2  }
0xd4: {  	s13 =	sshll.u32 @!p0 s9, $0x2;
	v3 =	vadd.f32 v4, v3;
	[tilespmem:s12+$0x10180] =	vst v5  }
0xd5: {  	s14 =	sand.u32 @!p0 $0x1D, s9;
	s13 =	sand.u32 @!p0 $0x180, s13;
	[tilespmem:s12+$0x12180] =	vst v2  }
0xd6: {  	s13 =	sor.u32 @!p0 s14, s13;
	[tilespmem:s12+$0x14180] =	vst v3  }
0xd7: {  	v2 =	vld.msk @!p0 [tilespmem:s13+$0x0], $0x1;
	_ =	sdelay $0x4  }
0xd8: {  	v3 =	vshll.u32 @!p0 v2, $0x6  }
0xd9: {  	v2 =	vand.u32 @!p0 $0x7, v2;
	v3 =	vand.u32 @!p0 $0xFFFFFE00, v3  }
0xda: {  	v4 =	vlaneseq.u32 @!p0;
	v2 =	vor.u32 @!p0 v2, v3;
	v3 =	vimm.s32 @!p0 $0x0  }
0xdb: {  	v2 =	vperm.xlane @!p0 v2, v3;
	v3 =	vmul.u32 @!p0 $0x8, v4;
	_ =	sdelay $0x1  }
0xdc: {  	v2 =	vadd.s32 @!p0 v3, v2;
	_ =	sdelay $0x3  }
0xdd: {  	s14 =	simm.s32 @!p0 $0x2100;
	s13 =	simm.s32 @!p0 $0x0  }
0xde: {  	[tilespmem:s14], [sflag:$0x2] =	stream.indirect_vreg.gather @!p0 [hbm4b:s3+s13], $0x80, v2, vm1, $0xb8;
	[tilespmem:$0x16100] =	vst v63  }
0xdf: {  	s14 =	simm.s32 @!p0 $0x2900  }
0xe0: {  	[tilespmem:s14], [sflag:$0x2] =	stream.indirect_vreg.gather @!p0 [hbm4b:s7+s13], $0x80, v2, vm1, $0xb8;
	[tilespmem:$0x16100] =	vst v63  }
0xe1: {  	s14 =	simm.s32 @!p0 $0x3100  }
0xe2: {  	[tilespmem:s14], [sflag:$0x2] =	stream.indirect_vreg.gather @!p0 [hbm4b:s8+s13], $0x80, v2, vm1, $0xb8;
	[tilespmem:$0x16100] =	vst v63  }
0xe3: {  	s14 =	simm.s32 @!p0 $0x3900  }
0xe4: {  	[tilespmem:s14], [sflag:$0x2] =	stream.indirect_vreg.gather @!p0 [hbm4b:s10+s13], $0x80, v2, vm1, $0xb8;
	[tilespmem:$0x16100] =	vst v63  }
0xe5: {  	s13 =	sshll.u32 @!p0 s9, $0x4;
	s9 =	sadd.s32 @!p0 s5, s9  }
0xe6: {  	s9 =	sshll.u32 @!p0 s9, $0xA;
	s13 =	sand.u32 @!p0 $0x50, s13  }
0xe7: {  	s15 =	simm.s32 @!p0 $0xA100;
	s9 =	sand.u32 @!p0 $0xFFFE000, s9;
	s13 =	sadd.s32 @!p0 s1, s13  }
0xe8: {  	s14 =	simm.s32 @!p0 $0x400;
	s9 =	sadd.s32 @!p0 s9, s13;
	s13 =	simm.s32 @!p0 $0x80  }
0xe9: {  	[tilespmem:s15], [sflag:$0x6] =	stream.strided.gather @!p0 [hbm4b:s9+s13], $0x2000, s14, s13, $0x38;
	[tilespmem:$0x16100] =	vst v63  }
0xea: {  	_ =	swait.ge [sflag:s30], $0x2000  }
0xeb: {  	[sflag:s30] =	ssyncset.done $0x0  }
0xec: {  	[sflag:s30] =	ssyncadd.s32 $0xFFFFE000  }
0xed: {  	_ =	swait.ge [sflag:s31], $0x2000  }
0xee: {  	[sflag:s31] =	ssyncset.done $0x0  }
0xef: {  	s13 =	simm.s32 $0x0;
	[sflag:s31] =	ssyncadd.s32 $0xFFFFE000  }
0xf0: {  	v2 =	vld [tilespmem:s13+$0xC100]  }
0xf1: {  	v3 =	vld [tilespmem:s13+$0x4100]  }
0xf2: {  	v4 =	vld [tilespmem:s13+$0xC110]  }
0xf3: {  	v5 =	vld [tilespmem:s13+$0x4110]  }
0xf4: {  	v7 =	vld [tilespmem:s13+$0xC120]  }
0xf5: {  	v8 =	vld [tilespmem:s13+$0x4120]  }
0xf6: {  	v9 =	vld [tilespmem:s13+$0xC130];
	v6 =	vmul.f32 v3, v2  }
0xf7: {  	v10 =	vimm.f32 $0.0e+00;
	v13 =	vld [tilespmem:s13+$0x4130];
	v2 =	vmul.f32 v2, v2;
	v3 =	vmul.f32 v3, v3  }
0xf8: {  	v15 =	vld [tilespmem:s13+$0xC140];
	v12 =	vmul.f32 v5, v4;
	v4 =	vmul.f32 v4, v4;
	v11 =	vadd.f32 v6, v10  }
0xf9: {  	v5 =	vmul.f32 v5, v5;
	v14 =	vadd.f32 v2, v10;
	v3 =	vadd.f32 v3, v10;
	v6 =	vld [tilespmem:s13+$0x4140]  }
0xfa: {  	v2 =	vld [tilespmem:s13+$0xC150];
	v10 =	vadd.f32 v12, v11;
	v11 =	vmul.f32 v8, v7;
	v7 =	vmul.f32 v7, v7  }
0xfb: {  	v12 =	vadd.f32 v4, v14;
	v5 =	vadd.f32 v5, v3;
	v8 =	vmul.f32 v8, v8;
	v3 =	vld [tilespmem:s13+$0x4150]  }
0xfc: {  	v16 =	vmul.f32 v13, v9;
	v9 =	vmul.f32 v9, v9;
	v4 =	vld [tilespmem:s13+$0xC160];
	v10 =	vadd.f32 v11, v10  }
0xfd: {  	v14 =	vmul.f32 v13, v13;
	v11 =	vadd.f32 v7, v12;
	v12 =	vadd.f32 v8, v5;
	v5 =	vld [tilespmem:s13+$0x4160]  }
0xfe: {  	s14 =	simm.s32 $0x0;
	s15 =	simm.s32 $0x200;
	v8 =	vmul.f32 v15, v15;
	v7 =	vld [tilespmem:s13+$0xC170];
	v13 =	vmul.f32 v6, v15;
	v10 =	vadd.f32 v16, v10  }
.LBB2_7:
0xff: {  	v9 =	vadd.f32 v9, v11;
	v11 =	vadd.f32 v14, v12;
	v6 =	vmul.f32 v6, v6;
	v12 =	vld [tilespmem:s13+$0x4170];
	s13 =	sshra.s32 s15, $0x2  }
0x100: {  	v14 =	vld [tilespmem:s13+$0xC100];
	v10 =	vadd.f32 v13, v10;
	v13 =	vmul.f32 v3, v2;
	v2 =	vmul.f32 v2, v2  }
0x101: {  	s14 =	sadd.s32 $0x8, s14;
	v3 =	vmul.f32 v3, v3;
	v15 =	vld [tilespmem:s13+$0x4100];
	v8 =	vadd.f32 v8, v9;
	v6 =	vadd.f32 v6, v11  }
0x102: {  	p1 =	slt.u32 s14, $0x1F8;
	v9 =	vld [tilespmem:s13+$0xC110];
	v10 =	vadd.f32 v13, v10;
	v11 =	vmul.f32 v5, v4;
	v4 =	vmul.f32 v4, v4  }
0x103: {  	v5 =	vmul.f32 v5, v5;
	v13 =	vld [tilespmem:s13+$0x4110];
	v2 =	vadd.f32 v2, v8;
	v3 =	vadd.f32 v3, v6  }
0x104: {  	v8 =	vld [tilespmem:s13+$0xC120];
	v6 =	vadd.f32 v11, v10;
	v10 =	vmul.f32 v12, v7;
	v7 =	vmul.f32 v7, v7  }
0x105: {  	v11 =	vld [tilespmem:s13+$0x4120];
	v2 =	vadd.f32 v4, v2;
	v3 =	vadd.f32 v5, v3;
	v4 =	vmul.f32 v12, v12  }
0x106: {  	v12 =	vmul.f32 v14, v14;
	v5 =	vmul.f32 v15, v14;
	v14 =	vld [tilespmem:s13+$0xC130];
	v6 =	vadd.f32 v10, v6  }
0x107: {  	v10 =	vmul.f32 v15, v15;
	v15 =	vld [tilespmem:s13+$0x4130];
	v2 =	vadd.f32 v7, v2;
	v3 =	vadd.f32 v4, v3  }
0x108: {  	v7 =	vmul.f32 v9, v9;
	v4 =	vadd.f32 v5, v6;
	v5 =	vmul.f32 v13, v9;
	v16 =	vld [tilespmem:s13+$0xC140]  }
0x109: {  	v9 =	vadd.f32 v12, v2;
	v3 =	vadd.f32 v10, v3;
	v10 =	vmul.f32 v13, v13;
	v6 =	vld [tilespmem:s13+$0x4140]  }
.Ltmp4:
0x10a: {  	v4 =	vadd.f32 v5, v4;
	v5 =	vmul.f32 v11, v8;
	v8 =	vmul.f32 v8, v8;
	v2 =	vld [tilespmem:s13+$0xC150];
	(pc) =	sbr.rel @p1 .LBB2_7-.Ltmp4, $4  }
0x10b: {  	v12 =	vmul.f32 v11, v11;
	v7 =	vadd.f32 v7, v9;
	v10 =	vadd.f32 v10, v3;
	v3 =	vld [tilespmem:s13+$0x4150]  }
0x10c: {  	v9 =	vmul.f32 v14, v14;
	v13 =	vadd.f32 v5, v4;
	v17 =	vmul.f32 v15, v14;
	v4 =	vld [tilespmem:s13+$0xC160]  }
0x10d: {  	v14 =	vmul.f32 v15, v15;
	v11 =	vadd.f32 v8, v7;
	v12 =	vadd.f32 v12, v10;
	v5 =	vld [tilespmem:s13+$0x4160]  }
0x10e: {  	s15 =	sadd.s32 $0x200, s15;
	v8 =	vmul.f32 v16, v16;
	v10 =	vadd.f32 v17, v13;
	v13 =	vmul.f32 v6, v16;
	v7 =	vld [tilespmem:s13+$0xC170]  }
0x10f: {  	v9 =	vadd.f32 v9, v11;
	v11 =	vadd.f32 v14, v12;
	v12 =	vld [tilespmem:s13+$0x4170]  }
0x110: {  	v6 =	vmul.f32 v6, v6;
	v10 =	vadd.f32 v13, v10;
	v13 =	vmul.f32 v3, v2  }
0x111: {  	v2 =	vmul.f32 v2, v2;
	v3 =	vmul.f32 v3, v3;
	v8 =	vadd.f32 v8, v9  }
0x112: {  	v6 =	vadd.f32 v6, v11;
	v9 =	vadd.f32 v13, v10;
	v10 =	vmul.f32 v5, v4  }
0x113: {  	v4 =	vmul.f32 v4, v4;
	v5 =	vmul.f32 v5, v5;
	v2 =	vadd.f32 v2, v8  }
0x114: {  	v3 =	vadd.f32 v3, v6;
	v6 =	vadd.f32 v10, v9;
	v8 =	vmul.f32 v12, v7  }
0x115: {  	v7 =	vmul.f32 v7, v7;
	v2 =	vadd.f32 v4, v2  }
0x116: {  	v3 =	vadd.f32 v5, v3;
	v4 =	vmul.f32 v12, v12;
	v5 =	vadd.f32 v8, v6  }
0x117: {  	s9 =	sadd.s32 @!p0 $0x6, s11;
	v2 =	vadd.f32 v7, v2  }
0x118: {  	s13 =	sshll.u32 @!p0 s9, $0x2;
	v3 =	vadd.f32 v4, v3;
	[tilespmem:s12+$0x10200] =	vst v5  }
0x119: {  	s14 =	sand.u32 @!p0 $0x1E, s9;
	s13 =	sand.u32 @!p0 $0x180, s13;
	[tilespmem:s12+$0x12200] =	vst v2  }
0x11a: {  	s13 =	sor.u32 @!p0 s14, s13;
	[tilespmem:s12+$0x14200] =	vst v3  }
0x11b: {  	v2 =	vld.msk @!p0 [tilespmem:s13+$0x0], $0x1;
	_ =	sdelay $0x4  }
0x11c: {  	v3 =	vshll.u32 @!p0 v2, $0x6  }
0x11d: {  	v2 =	vand.u32 @!p0 $0x7, v2;
	v3 =	vand.u32 @!p0 $0xFFFFFE00, v3  }
0x11e: {  	v4 =	vlaneseq.u32 @!p0;
	v2 =	vor.u32 @!p0 v2, v3;
	v3 =	vimm.s32 @!p0 $0x0  }
0x11f: {  	v2 =	vperm.xlane @!p0 v2, v3;
	v3 =	vmul.u32 @!p0 $0x8, v4;
	_ =	sdelay $0x1  }
0x120: {  	v2 =	vadd.s32 @!p0 v3, v2;
	_ =	sdelay $0x3  }
0x121: {  	s14 =	simm.s32 @!p0 $0x4100;
	s13 =	simm.s32 @!p0 $0x0  }
0x122: {  	[tilespmem:s14], [sflag:$0x3] =	stream.indirect_vreg.gather @!p0 [hbm4b:s3+s13], $0x80, v2, vm1, $0xb8;
	[tilespmem:$0x16100] =	vst v63  }
0x123: {  	s14 =	simm.s32 @!p0 $0x4900  }
0x124: {  	[tilespmem:s14], [sflag:$0x3] =	stream.indirect_vreg.gather @!p0 [hbm4b:s7+s13], $0x80, v2, vm1, $0xb8;
	[tilespmem:$0x16100] =	vst v63  }
0x125: {  	s14 =	simm.s32 @!p0 $0x5100  }
0x126: {  	[tilespmem:s14], [sflag:$0x3] =	stream.indirect_vreg.gather @!p0 [hbm4b:s8+s13], $0x80, v2, vm1, $0xb8;
	[tilespmem:$0x16100] =	vst v63  }
0x127: {  	s14 =	simm.s32 @!p0 $0x5900  }
0x128: {  	[tilespmem:s14], [sflag:$0x3] =	stream.indirect_vreg.gather @!p0 [hbm4b:s10+s13], $0x80, v2, vm1, $0xb8;
	[tilespmem:$0x16100] =	vst v63  }
0x129: {  	s13 =	sshll.u32 @!p0 s9, $0x4;
	s9 =	sadd.s32 @!p0 s5, s9  }
0x12a: {  	s9 =	sshll.u32 @!p0 s9, $0xA;
	s13 =	sand.u32 @!p0 $0x60, s13  }
0x12b: {  	s15 =	simm.s32 @!p0 $0xC100;
	s9 =	sand.u32 @!p0 $0xFFFE000, s9;
	s13 =	sadd.s32 @!p0 s1, s13  }
0x12c: {  	s14 =	simm.s32 @!p0 $0x400;
	s9 =	sadd.s32 @!p0 s9, s13;
	s13 =	simm.s32 @!p0 $0x80  }
0x12d: {  	[tilespmem:s15], [sflag:$0x7] =	stream.strided.gather @!p0 [hbm4b:s9+s13], $0x2000, s14, s13, $0x38;
	[tilespmem:$0x16100] =	vst v63  }
0x12e: {  	_ =	swait.ge [sflag:s2], $0x2000  }
0x12f: {  	[sflag:s2] =	ssyncset.done $0x0  }
0x130: {  	[sflag:s2] =	ssyncadd.s32 $0xFFFFE000  }
0x131: {  	_ =	swait.ge [sflag:s0], $0x2000  }
0x132: {  	[sflag:s0] =	ssyncset.done $0x0  }
0x133: {  	s13 =	simm.s32 $0x0;
	[sflag:s0] =	ssyncadd.s32 $0xFFFFE000  }
0x134: {  	v2 =	vld [tilespmem:s13+$0xE100]  }
0x135: {  	v3 =	vld [tilespmem:s13+$0x6100]  }
0x136: {  	v4 =	vld [tilespmem:s13+$0xE110]  }
0x137: {  	v5 =	vld [tilespmem:s13+$0x6110]  }
0x138: {  	v7 =	vld [tilespmem:s13+$0xE120]  }
0x139: {  	v8 =	vld [tilespmem:s13+$0x6120]  }
0x13a: {  	v9 =	vld [tilespmem:s13+$0xE130];
	v6 =	vmul.f32 v3, v2  }
0x13b: {  	v10 =	vimm.f32 $0.0e+00;
	v13 =	vld [tilespmem:s13+$0x6130];
	v2 =	vmul.f32 v2, v2;
	v3 =	vmul.f32 v3, v3  }
0x13c: {  	v15 =	vld [tilespmem:s13+$0xE140];
	v12 =	vmul.f32 v5, v4;
	v4 =	vmul.f32 v4, v4;
	v11 =	vadd.f32 v6, v10  }
0x13d: {  	v5 =	vmul.f32 v5, v5;
	v14 =	vadd.f32 v2, v10;
	v3 =	vadd.f32 v3, v10;
	v6 =	vld [tilespmem:s13+$0x6140]  }
0x13e: {  	v2 =	vld [tilespmem:s13+$0xE150];
	v10 =	vadd.f32 v12, v11;
	v11 =	vmul.f32 v8, v7;
	v7 =	vmul.f32 v7, v7  }
0x13f: {  	v12 =	vadd.f32 v4, v14;
	v5 =	vadd.f32 v5, v3;
	v8 =	vmul.f32 v8, v8;
	v3 =	vld [tilespmem:s13+$0x6150]  }
0x140: {  	v16 =	vmul.f32 v13, v9;
	v9 =	vmul.f32 v9, v9;
	v4 =	vld [tilespmem:s13+$0xE160];
	v10 =	vadd.f32 v11, v10  }
0x141: {  	v14 =	vmul.f32 v13, v13;
	v11 =	vadd.f32 v7, v12;
	v12 =	vadd.f32 v8, v5;
	v5 =	vld [tilespmem:s13+$0x6160]  }
0x142: {  	s14 =	simm.s32 $0x0;
	s15 =	simm.s32 $0x200;
	v8 =	vmul.f32 v15, v15;
	v7 =	vld [tilespmem:s13+$0xE170];
	v13 =	vmul.f32 v6, v15;
	v10 =	vadd.f32 v16, v10  }
.LBB2_9:
0x143: {  	v9 =	vadd.f32 v9, v11;
	v11 =	vadd.f32 v14, v12;
	v6 =	vmul.f32 v6, v6;
	v12 =	vld [tilespmem:s13+$0x6170];
	s13 =	sshra.s32 s15, $0x2  }
0x144: {  	v14 =	vld [tilespmem:s13+$0xE100];
	v10 =	vadd.f32 v13, v10;
	v13 =	vmul.f32 v3, v2;
	v2 =	vmul.f32 v2, v2  }
0x145: {  	s14 =	sadd.s32 $0x8, s14;
	v3 =	vmul.f32 v3, v3;
	v15 =	vld [tilespmem:s13+$0x6100];
	v8 =	vadd.f32 v8, v9;
	v6 =	vadd.f32 v6, v11  }
0x146: {  	p1 =	slt.u32 s14, $0x1F8;
	v9 =	vld [tilespmem:s13+$0xE110];
	v10 =	vadd.f32 v13, v10;
	v11 =	vmul.f32 v5, v4;
	v4 =	vmul.f32 v4, v4  }
0x147: {  	v5 =	vmul.f32 v5, v5;
	v13 =	vld [tilespmem:s13+$0x6110];
	v2 =	vadd.f32 v2, v8;
	v3 =	vadd.f32 v3, v6  }
0x148: {  	v8 =	vld [tilespmem:s13+$0xE120];
	v6 =	vadd.f32 v11, v10;
	v10 =	vmul.f32 v12, v7;
	v7 =	vmul.f32 v7, v7  }
0x149: {  	v11 =	vld [tilespmem:s13+$0x6120];
	v2 =	vadd.f32 v4, v2;
	v3 =	vadd.f32 v5, v3;
	v4 =	vmul.f32 v12, v12  }
0x14a: {  	v12 =	vmul.f32 v14, v14;
	v5 =	vmul.f32 v15, v14;
	v14 =	vld [tilespmem:s13+$0xE130];
	v6 =	vadd.f32 v10, v6  }
0x14b: {  	v10 =	vmul.f32 v15, v15;
	v15 =	vld [tilespmem:s13+$0x6130];
	v2 =	vadd.f32 v7, v2;
	v3 =	vadd.f32 v4, v3  }
0x14c: {  	v7 =	vmul.f32 v9, v9;
	v4 =	vadd.f32 v5, v6;
	v5 =	vmul.f32 v13, v9;
	v16 =	vld [tilespmem:s13+$0xE140]  }
0x14d: {  	v9 =	vadd.f32 v12, v2;
	v3 =	vadd.f32 v10, v3;
	v10 =	vmul.f32 v13, v13;
	v6 =	vld [tilespmem:s13+$0x6140]  }
.Ltmp5:
0x14e: {  	v4 =	vadd.f32 v5, v4;
	v5 =	vmul.f32 v11, v8;
	v8 =	vmul.f32 v8, v8;
	v2 =	vld [tilespmem:s13+$0xE150];
	(pc) =	sbr.rel @p1 .LBB2_9-.Ltmp5, $4  }
0x14f: {  	v12 =	vmul.f32 v11, v11;
	v7 =	vadd.f32 v7, v9;
	v10 =	vadd.f32 v10, v3;
	v3 =	vld [tilespmem:s13+$0x6150]  }
0x150: {  	v9 =	vmul.f32 v14, v14;
	v13 =	vadd.f32 v5, v4;
	v17 =	vmul.f32 v15, v14;
	v4 =	vld [tilespmem:s13+$0xE160]  }
0x151: {  	v14 =	vmul.f32 v15, v15;
	v11 =	vadd.f32 v8, v7;
	v12 =	vadd.f32 v12, v10;
	v5 =	vld [tilespmem:s13+$0x6160]  }
0x152: {  	s15 =	sadd.s32 $0x200, s15;
	v8 =	vmul.f32 v16, v16;
	v10 =	vadd.f32 v17, v13;
	v13 =	vmul.f32 v6, v16;
	v7 =	vld [tilespmem:s13+$0xE170]  }
0x153: {  	v9 =	vadd.f32 v9, v11;
	v52 =	vadd.f32 v14, v12;
	v53 =	vld [tilespmem:s13+$0x6170]  }
0x154: {  	v6 =	vmul.f32 v6, v6;
	v10 =	vadd.f32 v13, v10;
	v54 =	vmul.f32 v3, v2  }
0x155: {  	v2 =	vmul.f32 v2, v2;
	v3 =	vmul.f32 v3, v3;
	v8 =	vadd.f32 v8, v9  }
0x156: {  	v6 =	vadd.f32 v6, v52;
	v55 =	vadd.f32 v54, v10;
	v56 =	vmul.f32 v5, v4  }
0x157: {  	v57 =	vmul.f32 v4, v4;
	v58 =	vmul.f32 v5, v5;
	v2 =	vadd.f32 v2, v8  }
0x158: {  	v3 =	vadd.f32 v3, v6;
	v59 =	vadd.f32 v56, v55;
	v60 =	vmul.f32 v53, v7  }
0x159: {  	v61 =	vmul.f32 v7, v7;
	v2 =	vadd.f32 v57, v2  }
.Ltmp6:
0x15a: {  	v62 =	vmul.f32 v53, v53;
	v3 =	vadd.f32 v58, v3;
	v63 =	vadd.f32 v60, v59;
	(pc) =	sbr.rel @p0 .LBB2_12-.Ltmp6, $4  }
0x15b: {  	v2 =	vadd.f32 v61, v2  }
0x15c: {  	v3 =	vadd.f32 v62, v3;
	[tilespmem:s12+$0x10280] =	vst v63  }
0x15d: {  	[tilespmem:s12+$0x12280] =	vst v2  }
0x15e: {  	[tilespmem:s12+$0x14280] =	vst v3  }
0x15f: {  	s9 =	sadd.s32 $0x7, s11  }
0x160: {  	s11 =	sshll.u32 s9, $0x2  }
0x161: {  	s12 =	sand.u32 $0x1F, s9;
	s11 =	sand.u32 $0x180, s11  }
0x162: {  	s11 =	sor.u32 s12, s11  }
0x163: {  	v2 =	vld.msk [tilespmem:s11+$0x0], $0x1;
	_ =	sdelay $0x4  }
0x164: {  	v3 =	vshll.u32 v2, $0x6  }
0x165: {  	v2 =	vand.u32 $0x7, v2;
	v3 =	vand.u32 $0xFFFFFE00, v3  }
0x166: {  	v2 =	vor.u32 v2, v3  }
0x167: {  	v2 =	vperm.xlane v2, v0;
	_ =	sdelay $0x1  }
0x168: {  	v2 =	vadd.s32 v1, v2;
	_ =	sdelay $0x4  }
0x169: {  	[tilespmem:s18], [sflag:$0x4] =	stream.indirect_vreg.gather [hbm4b:s3+s4], $0x80, v2, vm0, $0xb8;
	[tilespmem:$0x16100] =	vst v63  }
0x16a: {  	_ = 	snop  }
0x16b: {  	[tilespmem:s19], [sflag:$0x4] =	stream.indirect_vreg.gather [hbm4b:s7+s4], $0x80, v2, vm0, $0xb8;
	[tilespmem:$0x16100] =	vst v63  }
0x16c: {  	s15 =	sshll.u32 s9, $0x4;
	s9 =	sadd.s32 s5, s9  }
0x16d: {  	[tilespmem:s20], [sflag:$0x4] =	stream.indirect_vreg.gather [hbm4b:s8+s4], $0x80, v2, vm0, $0xb8;
	[tilespmem:$0x16100] =	vst v63  }
.Ltmp7:
0x16e: {  	s9 =	sshll.u32 s9, $0xA;
	s11 =	sand.u32 $0x70, s15;
	(pc) =	sbr.rel .LBB2_2-.Ltmp7, $4  }
0x16f: {  	s9 =	sand.u32 $0xFFFE000, s9;
	s11 =	sadd.s32 s1, s11  }
0x170: {  	[tilespmem:s23], [sflag:$0x4] =	stream.indirect_vreg.gather [hbm4b:s10+s4], $0x80, v2, vm0, $0xb8;
	[tilespmem:$0x16100] =	vst v63  }
0x171: {  	s6 =	sadd.s32 $0x1, s6;
	s9 =	sadd.s32 s9, s11  }
0x172: {  	[tilespmem:s24], [sflag:$0x8] =	stream.strided.gather [hbm4b:s9+s21], $0x2000, s22, s21, $0x38;
	[tilespmem:$0x16100] =	vst v63  }
.LBB2_13:
0x173: {  	_ =	sfence.sel $0x180000  }
0x174: {  	[bflag:$0x0] =	sbarrier.arrive $0xFFFF  }
0x175: {  	_ =	strace $0x90000047  }
0x176: {  	s0 =	stileid.u32;
	[bflag:$0x2] =	sbarrier.arrive $0xFFFF  }
0x177: {  	p0 =	sne.s32 s0, $0x0;
	s0 =	rddreg [dreg:$0x3]  }
0x178: {  	s0 =	sadd.s32 @!p0 $0x100000, s0  }
0x179: {  	[sflag:s0] =	ssyncadd.tile.s32 @!p0 $0x1;
	_ =	shalt  }
.Lfunc_end2:
_tile_overlayer_lowered:
.L_overlay_start_2:
0x17a: {  	(tag) =	ssettag $0x2  }
0x17b: {  	s0 =	rddreg [dreg:$0x0];
	s2 =	stileid.u32  }
0x17c: {  	s1 =	rddreg [dreg:$0x1];
	p0 =	sne.s32 s2, $0x0  }
0x17d: {  	s3 =	rddreg [dreg:$0x2];
	[bflag:$0x3] =	sbarrier.arrive $0xFFFF;
	s2 =	simm.s32 @!p0 $0x1C09  }
0x17e: {  	[timem:s3], [sflag:s2] =	dma.local @!p0 [hbm:s0], s1  }
0x17f: {  	s0 =	simm.s32 @!p0 $0x9  }
0x180: {  	_ =	swait.ge @!p0 [sflag:s0], s1  }
0x181: {  	s1 =	ssub.s32 @!p0 $0x0, s1;
	[sflag:s0] =	ssyncset.done @!p0 $0x0  }
0x182: {  	[sflag:s0] =	ssyncadd.s32 @!p0 s1  }
0x183: {  	[bflag:$0x3] =	sbarrier.arrive $0xFFFF  }
0x184: {  	_ =	shalt  }

</sc_bundles>
